<compile_context>
chip_gen: v7x
topology: tpu7x:2x2x1
jax: 0.10.2.dev20260603
libtpu: 0.0.44.dev20260713+nightly
codegen_flags: <defaults>
</compile_context>

<pallas_src>
import jax
import jax.numpy as jnp
from jax import lax
from jax.experimental import pallas as pl
from jax.experimental.pallas import tpu as pltpu
from jax.experimental.pallas import tpu_sc as plsc

VOCAB_SIZE = 100000
BATCH = 16384
SEQ = 200
PAD_ROWS = 100096

NUM_CORES = 2
NUM_SUBCORES = 16
LANES = 16
NUM_WORKERS = NUM_CORES * NUM_SUBCORES
ROWS_PER_WORKER = BATCH // NUM_WORKERS
CHUNK_ROWS = 32
NUM_CHUNKS = ROWS_PER_WORKER // CHUNK_ROWS
GROUPS_PER_CHUNK = CHUNK_ROWS // LANES
CHUNK_ELEMS = CHUNK_ROWS * SEQ


def _sc_embed_sum(w_hbm, text_hbm, h_hbm, table_v, idx_a, idx_b, idx_c, h_v,
                  sem_t, sem_a, sem_b, sem_c):
    wid = lax.axis_index("s") * NUM_CORES + lax.axis_index("c")
    row0 = wid * ROWS_PER_WORKER

    bufs = [idx_a, idx_b, idx_c]
    sems = [sem_a, sem_b, sem_c]

    def start_copy(c):
        return pltpu.async_copy(
            text_hbm.at[pl.ds(row0 + c * CHUNK_ROWS, CHUNK_ROWS), :],
            bufs[c % 3], sems[c % 3])

    copies = [None] * NUM_CHUNKS
    for c in range(3):
        copies[c] = start_copy(c)
    table_cp = pltpu.async_copy(w_hbm, table_v, sem_t)

    row_vecs = [g * LANES + lax.iota(jnp.int32, LANES)
                for g in range(GROUPS_PER_CHUNK)]
    stagger = lax.iota(jnp.int32, LANES)

    num_pairs = NUM_CHUNKS // 2
    for p in range(num_pairs):
        c0, c1 = 2 * p, 2 * p + 1
        copies[c0].wait()
        copies[c1].wait()
        if p == 0:
            table_cp.wait()
        bufa, bufb = bufs[c0 % 3], bufs[c1 % 3]

        def body(l, accs, bufa=bufa, bufb=bufb):
            col = stagger + l
            col = jnp.where(col >= SEQ, col - SEQ, col)
            outs = []
            for g in range(GROUPS_PER_CHUNK):
                idx = plsc.load_gather(bufa, [row_vecs[g], col])
                vals = plsc.load_gather(table_v, [idx])
                outs.append(accs[g] + vals)
            for g in range(GROUPS_PER_CHUNK):
                idx = plsc.load_gather(bufb, [row_vecs[g], col])
                vals = plsc.load_gather(table_v, [idx])
                outs.append(accs[GROUPS_PER_CHUNK + g] + vals)
            return tuple(outs)

        accs = lax.fori_loop(
            0, SEQ, body,
            tuple(jnp.zeros((LANES,), jnp.float32)
                  for _ in range(2 * GROUPS_PER_CHUNK)),
        )
        for g in range(2 * GROUPS_PER_CHUNK):
            h_v[pl.ds((c0 * GROUPS_PER_CHUNK + g) * LANES, LANES)] = accs[g]

        if 2 * p + 3 < NUM_CHUNKS:
            copies[2 * p + 3] = start_copy(2 * p + 3)
        if 2 * p + 4 < NUM_CHUNKS:
            copies[2 * p + 4] = start_copy(2 * p + 4)

    pltpu.sync_copy(h_v, h_hbm.at[pl.ds(row0, ROWS_PER_WORKER)])


def _embed_sums(w_flat, text):
    mesh = plsc.VectorSubcoreMesh(core_axis_name="c", subcore_axis_name="s")
    return pl.kernel(
        _sc_embed_sum,
        out_type=jax.ShapeDtypeStruct((BATCH,), jnp.float32),
        mesh=mesh,
        scratch_types=[
            pltpu.VMEM((VOCAB_SIZE,), jnp.float32),
            pltpu.VMEM((CHUNK_ROWS, SEQ), jnp.int32),
            pltpu.VMEM((CHUNK_ROWS, SEQ), jnp.int32),
            pltpu.VMEM((CHUNK_ROWS, SEQ), jnp.int32),
            pltpu.VMEM((ROWS_PER_WORKER,), jnp.float32),
            pltpu.SemaphoreType.DMA,
            pltpu.SemaphoreType.DMA,
            pltpu.SemaphoreType.DMA,
            pltpu.SemaphoreType.DMA,
        ],
        compiler_params=pltpu.CompilerParams(needs_layout_passes=False,
                                             use_tc_tiling_on_sc=True),
    )(w_flat, text)


def _tc_tail(h_ref, r_ref, ls_ref, w_ref, lp_ref, loss_ref):
    sigma = jnp.exp(ls_ref[0, 0])
    h = h_ref[...]
    r = r_ref[...]
    rf = r.astype(jnp.float32)
    b_r = 2.0 * rf - 4.0
    b_r1 = jnp.where(r == 4, jnp.float32(100.0), 2.0 * rf - 2.0)
    x = (h - b_r) / sigma
    y = (h - b_r1) / sigma
    lp = jnp.log(jax.nn.sigmoid(x) - jax.nn.sigmoid(y))
    lp_ref[...] = lp
    w = w_ref[...]
    loss_ref[0, 0] = -jnp.sum(lp) / 100.0 + 0.5 * jnp.sum(w * w)


def _tail(h2, r2, ls, w_pad):
    return pl.pallas_call(
        _tc_tail,
        out_shape=(
            jax.ShapeDtypeStruct((128, 128), jnp.float32),
            jax.ShapeDtypeStruct((1, 1), jnp.float32),
        ),
        in_specs=[
            pl.BlockSpec(memory_space=pltpu.VMEM),
            pl.BlockSpec(memory_space=pltpu.VMEM),
            pl.BlockSpec(memory_space=pltpu.SMEM),
            pl.BlockSpec(memory_space=pltpu.VMEM),
        ],
        out_specs=(
            pl.BlockSpec(memory_space=pltpu.VMEM),
            pl.BlockSpec(memory_space=pltpu.SMEM),
        ),
    )(h2, r2, ls, w_pad)


def kernel(W, log_sigma, text, rating):
    w_flat = W.reshape(VOCAB_SIZE)
    h = _embed_sums(w_flat, text)
    h2 = h.reshape(128, 128)
    r2 = rating.reshape(128, 128)
    ls = log_sigma.reshape(1, 1)
    w_pad = jnp.pad(w_flat, (0, PAD_ROWS - VOCAB_SIZE))
    w_pad = w_pad.reshape(PAD_ROWS // 128, 128)
    lp, loss = _tail(h2, r2, ls, w_pad)
    return (loss.reshape(()), lp.reshape(BATCH))

# --- scband reference (transcript-rebuilt; emitter-appended) ---
"""Pipeline reference for scband-model-34668976013705 (READ-ONLY COPY).

The authoritative reference and input builder live on the scoring server;
editing this copy changes nothing except your own understanding.
"""

import jax, jax.numpy as jnp
import numpy as np

VOCAB = 100000
B = 16384
L = 200
PAD = 0
INF = 100.0

B_R = jnp.array([-4.0, -2.0, 0.0, 2.0, 4.0], dtype=jnp.float32)
B_R_PLUS_1 = jnp.array([-2.0, 0.0, 2.0, 4.0, INF], dtype=jnp.float32)


def log_difference(x, y):
    # log( sigmoid(x) - sigmoid(y) ), with x > y elementwise (ordinal buckets)
    return jnp.log(jax.nn.sigmoid(x) - jax.nn.sigmoid(y))


def setup_inputs(seed: int = 0) -> dict:
    key = jax.random.key(seed)
    k1, k2, k3 = jax.random.split(key, 3)
    text = jax.random.randint(k1, (B, L), 0, VOCAB, dtype=jnp.int64 if jax.config.jax_enable_x64 else jnp.int32).astype(jnp.int32)
    rating = jax.random.randint(k2, (B,), 0, 5).astype(jnp.int32)
    # nn.Embedding(vocab, 1) weight, init uniform(-0.01, 0.01) as in the torch module
    W = jax.random.uniform(k3, (VOCAB, 1), dtype=jnp.float32, minval=-0.01, maxval=0.01)
    # nn.Parameter(FloatTensor(1)) -- uninitialized in torch; use zeros -> sigma = 1.0
    log_sigma = jnp.zeros((1,), dtype=jnp.float32)
    return {"W": W, "log_sigma": log_sigma, "text": text, "rating": rating}


def reference(W, log_sigma, text, rating):
    # padding_idx semantics: row PAD is used in the forward pass but receives no
    # gradient from the lookup path (torch nn.Embedding padding_idx behavior).
    W_lookup = W.at[PAD].set(jax.lax.stop_gradient(W[PAD]))
    # h = squeeze(sum(self.w(text), dim=1))  -> [B]
    emb = jnp.take(W_lookup, text, axis=0)           # [B, L, 1]
    h = jnp.squeeze(jnp.sum(emb, axis=1))            # [B]
    sigma = jnp.exp(log_sigma)                       # [1]
    b_r = B_R[rating]                                # [B]
    b_r_plus_1 = B_R_PLUS_1[rating]                  # [B]
    log_p_comb = log_difference((h - b_r) / sigma, (h - b_r_plus_1) / sigma)
    loss = -jnp.sum(log_p_comb) / 100.0 + 0.5 * jnp.sum(W * W)
    return (loss, log_p_comb)

if __name__ == "__main__":
    import jax
    _d = setup_inputs()
    print(jax.jit(kernel)(*tuple(_d.values())))

</pallas_src>

<mosaic_0001>
#map = affine_map<(d0, d1) -> (0)>
#map1 = affine_map<(d0, d1) -> (0, 0)>
module attributes {stable_mosaic.version = 14 : i64} {
  func.func @_sc_embed_sum(%arg0: i32, %arg1: i32, %arg2: memref<100000xf32, #tpu.memory_space<hbm>>, %arg3: memref<16384x200xi32, #tpu.memory_space<hbm>>, %arg4: memref<16384xf32, #tpu.memory_space<hbm>>, %arg5: memref<100000xf32, #tpu.memory_space<vmem>>, %arg6: memref<32x200xi32, #tpu.memory_space<vmem>>, %arg7: memref<32x200xi32, #tpu.memory_space<vmem>>, %arg8: memref<32x200xi32, #tpu.memory_space<vmem>>, %arg9: memref<512xf32, #tpu.memory_space<vmem>>, %arg10: memref<!tpu.dma_semaphore, #tpu.memory_space<semaphore_mem>>, %arg11: memref<!tpu.dma_semaphore, #tpu.memory_space<semaphore_mem>>, %arg12: memref<!tpu.dma_semaphore, #tpu.memory_space<semaphore_mem>>, %arg13: memref<!tpu.dma_semaphore, #tpu.memory_space<semaphore_mem>>) attributes {dimension_semantics = [#tpu.dimension_semantics<core_parallel>, #tpu.dimension_semantics<subcore_parallel>], iteration_bounds = array<i64: 2, 16>, scalar_prefetch = 0 : i64, scratch_operands = 9 : i64, tpu.core_type = #tpu.core_type<sc_vector_subcore>, window_params = [{transform_indices = #map}, {transform_indices = #map1}, {transform_indices = #map}]} {
    %mul3A = arith.constant 2 : i32
    %mul3A_0 = arith.muli %arg1, %mul3A : i32
    %add3A = arith.addi %mul3A_0, %arg0 : i32
    %mul3A_1 = arith.constant 512 : i32
    %mul3A_2 = arith.muli %add3A, %mul3A_1 : i32
    %add3A_3 = arith.constant 0 : i32
    %add3A_4 = arith.addi %mul3A_2, %add3A_3 : i32
    %dma_start3A = arith.constant 0 : i32
    %dma_start3A_5 = tpu.memref_slice %arg3[%add3A_4, %dma_start3A] : memref<16384x200xi32, #tpu.memory_space<hbm>> -> memref<32x200xi32, #tpu.memory_space<hbm>>
    %dma_start3A_6 = arith.constant 0 : i32
    %dma_start3A_7 = tpu.memref_slice %arg3[%add3A_4, %dma_start3A_6] : memref<16384x200xi32, #tpu.memory_space<hbm>> -> memref<32x200xi32, #tpu.memory_space<hbm>>
    tpu.enqueue_dma source(%dma_start3A_7 : memref<32x200xi32, #tpu.memory_space<hbm>>) target(%arg6 : memref<32x200xi32, #tpu.memory_space<vmem>>) target_semaphore(%arg11 : memref<!tpu.dma_semaphore, #tpu.memory_space<semaphore_mem>>)
    %add3A_8 = arith.constant 32 : i32
    %add3A_9 = arith.addi %mul3A_2, %add3A_8 : i32
    %dma_start3A_10 = arith.constant 0 : i32
    %dma_start3A_11 = tpu.memref_slice %arg3[%add3A_9, %dma_start3A_10] : memref<16384x200xi32, #tpu.memory_space<hbm>> -> memref<32x200xi32, #tpu.memory_space<hbm>>
    %dma_start3A_12 = arith.constant 0 : i32
    %dma_start3A_13 = tpu.memref_slice %arg3[%add3A_9, %dma_start3A_12] : memref<16384x200xi32, #tpu.memory_space<hbm>> -> memref<32x200xi32, #tpu.memory_space<hbm>>
    tpu.enqueue_dma source(%dma_start3A_13 : memref<32x200xi32, #tpu.memory_space<hbm>>) target(%arg7 : memref<32x200xi32, #tpu.memory_space<vmem>>) target_semaphore(%arg12 : memref<!tpu.dma_semaphore, #tpu.memory_space<semaphore_mem>>)
    %add3A_14 = arith.constant 64 : i32
    %add3A_15 = arith.addi %mul3A_2, %add3A_14 : i32
    %dma_start3A_16 = arith.constant 0 : i32
    %dma_start3A_17 = tpu.memref_slice %arg3[%add3A_15, %dma_start3A_16] : memref<16384x200xi32, #tpu.memory_space<hbm>> -> memref<32x200xi32, #tpu.memory_space<hbm>>
    %dma_start3A_18 = arith.constant 0 : i32
    %dma_start3A_19 = tpu.memref_slice %arg3[%add3A_15, %dma_start3A_18] : memref<16384x200xi32, #tpu.memory_space<hbm>> -> memref<32x200xi32, #tpu.memory_space<hbm>>
    tpu.enqueue_dma source(%dma_start3A_19 : memref<32x200xi32, #tpu.memory_space<hbm>>) target(%arg8 : memref<32x200xi32, #tpu.memory_space<vmem>>) target_semaphore(%arg13 : memref<!tpu.dma_semaphore, #tpu.memory_space<semaphore_mem>>)
    tpu.enqueue_dma source(%arg2 : memref<100000xf32, #tpu.memory_space<hbm>>) target(%arg5 : memref<100000xf32, #tpu.memory_space<vmem>>) target_semaphore(%arg10 : memref<!tpu.dma_semaphore, #tpu.memory_space<semaphore_mem>>)
    %iota3A = tpu.iota {dimensions = array<i32: 0>} : vector<16xi32>
    %add3A_20 = arith.constant 0 : i32
    %add3A_21 = vector.broadcast %add3A_20 : i32 to vector<16xi32>
    %add3A_22 = arith.addi %add3A_21, %iota3A : vector<16xi32>
    %iota3A_23 = tpu.iota {dimensions = array<i32: 0>} : vector<16xi32>
    %add3A_24 = arith.constant 16 : i32
    %add3A_25 = vector.broadcast %add3A_24 : i32 to vector<16xi32>
    %add3A_26 = arith.addi %add3A_25, %iota3A_23 : vector<16xi32>
    %iota3A_27 = tpu.iota {dimensions = array<i32: 0>} : vector<16xi32>
    %dma_wait3A = arith.constant 0 : i32
    %dma_wait3A_28 = tpu.memref_slice %arg3[%add3A_4, %dma_wait3A] : memref<16384x200xi32, #tpu.memory_space<hbm>> -> memref<32x200xi32, #tpu.memory_space<hbm>>
    %dma_wait3A_29 = arith.constant 0 : i32
    %dma_wait3A_30 = tpu.memref_slice %arg3[%add3A_4, %dma_wait3A_29] : memref<16384x200xi32, #tpu.memory_space<hbm>> -> memref<32x200xi32, #tpu.memory_space<hbm>>
    tpu.wait_dma2 semaphore(%arg11 : memref<!tpu.dma_semaphore, #tpu.memory_space<semaphore_mem>>) src(%dma_wait3A_30 : memref<32x200xi32, #tpu.memory_space<hbm>>) dst(%arg6 : memref<32x200xi32, #tpu.memory_space<vmem>>)
    %dma_wait3A_31 = arith.constant 0 : i32
    %dma_wait3A_32 = tpu.memref_slice %arg3[%add3A_9, %dma_wait3A_31] : memref<16384x200xi32, #tpu.memory_space<hbm>> -> memref<32x200xi32, #tpu.memory_space<hbm>>
    %dma_wait3A_33 = arith.constant 0 : i32
    %dma_wait3A_34 = tpu.memref_slice %arg3[%add3A_9, %dma_wait3A_33] : memref<16384x200xi32, #tpu.memory_space<hbm>> -> memref<32x200xi32, #tpu.memory_space<hbm>>
    tpu.wait_dma2 semaphore(%arg12 : memref<!tpu.dma_semaphore, #tpu.memory_space<semaphore_mem>>) src(%dma_wait3A_34 : memref<32x200xi32, #tpu.memory_space<hbm>>) dst(%arg7 : memref<32x200xi32, #tpu.memory_space<vmem>>)
    tpu.wait_dma2 semaphore(%arg10 : memref<!tpu.dma_semaphore, #tpu.memory_space<semaphore_mem>>) src(%arg2 : memref<100000xf32, #tpu.memory_space<hbm>>) dst(%arg5 : memref<100000xf32, #tpu.memory_space<vmem>>)
    %broadcast_in_dim3A = arith.constant 0.000000e+00 : f32
    %broadcast_in_dim3A_35 = vector.broadcast %broadcast_in_dim3A : f32 to vector<16xf32>
    %broadcast_in_dim3A_36 = arith.constant 0.000000e+00 : f32
    %broadcast_in_dim3A_37 = vector.broadcast %broadcast_in_dim3A_36 : f32 to vector<16xf32>
    %broadcast_in_dim3A_38 = arith.constant 0.000000e+00 : f32
    %broadcast_in_dim3A_39 = vector.broadcast %broadcast_in_dim3A_38 : f32 to vector<16xf32>
    %broadcast_in_dim3A_40 = arith.constant 0.000000e+00 : f32
    %broadcast_in_dim3A_41 = vector.broadcast %broadcast_in_dim3A_40 : f32 to vector<16xf32>
    %scan3A = arith.constant 0 : i32
    %scan3A_42 = arith.constant 200 : i32
    %scan3A_43 = arith.addi %scan3A, %scan3A_42 : i32
    %scan3A_44 = arith.constant 1 : i32
    %scan3A_45:4 = scf.for %scan3A_342 = %scan3A to %scan3A_43 step %scan3A_44 iter_args(%scan3A_343 = %broadcast_in_dim3A_35, %scan3A_344 = %broadcast_in_dim3A_37, %scan3A_345 = %broadcast_in_dim3A_39, %scan3A_346 = %broadcast_in_dim3A_41) -> (vector<16xf32>, vector<16xf32>, vector<16xf32>, vector<16xf32>)  : i32 {
      %add3A_347 = vector.broadcast %scan3A_342 : i32 to vector<16xi32>
      %add3A_348 = arith.addi %iota3A_27, %add3A_347 : vector<16xi32>
      %ge3A = arith.constant 200 : i32
      %ge3A_349 = vector.broadcast %ge3A : i32 to vector<16xi32>
      %ge3A_350 = arith.cmpi sge, %add3A_348, %ge3A_349 : vector<16xi32>
      %sub3A = arith.constant 200 : i32
      %sub3A_351 = vector.broadcast %sub3A : i32 to vector<16xi32>
      %sub3A_352 = arith.subi %add3A_348, %sub3A_351 : vector<16xi32>
      %select_n3A = arith.select %ge3A_350, %sub3A_352, %add3A_348 : vector<16xi1>, vector<16xi32>
      %gather3A = tpu.vector_load_idx %arg6[%add3A_22, %select_n3A] : memref<32x200xi32, #tpu.memory_space<vmem>>[vector<16xi32>, vector<16xi32>], vector<16xi32>,
      %gather3A_353 = tpu.vector_load_idx %arg5[%gather3A] : memref<100000xf32, #tpu.memory_space<vmem>>[vector<16xi32>], vector<16xf32>,
      %add3A_354 = arith.addf %scan3A_343, %gather3A_353 : vector<16xf32>
      %gather3A_355 = tpu.vector_load_idx %arg6[%add3A_26, %select_n3A] : memref<32x200xi32, #tpu.memory_space<vmem>>[vector<16xi32>, vector<16xi32>], vector<16xi32>,
      %gather3A_356 = tpu.vector_load_idx %arg5[%gather3A_355] : memref<100000xf32, #tpu.memory_space<vmem>>[vector<16xi32>], vector<16xf32>,
      %add3A_357 = arith.addf %scan3A_344, %gather3A_356 : vector<16xf32>
      %gather3A_358 = tpu.vector_load_idx %arg7[%add3A_22, %select_n3A] : memref<32x200xi32, #tpu.memory_space<vmem>>[vector<16xi32>, vector<16xi32>], vector<16xi32>,
      %gather3A_359 = tpu.vector_load_idx %arg5[%gather3A_358] : memref<100000xf32, #tpu.memory_space<vmem>>[vector<16xi32>], vector<16xf32>,
      %add3A_360 = arith.addf %scan3A_345, %gather3A_359 : vector<16xf32>
      %gather3A_361 = tpu.vector_load_idx %arg7[%add3A_26, %select_n3A] : memref<32x200xi32, #tpu.memory_space<vmem>>[vector<16xi32>, vector<16xi32>], vector<16xi32>,
      %gather3A_362 = tpu.vector_load_idx %arg5[%gather3A_361] : memref<100000xf32, #tpu.memory_space<vmem>>[vector<16xi32>], vector<16xf32>,
      %add3A_363 = arith.addf %scan3A_346, %gather3A_362 : vector<16xf32>
      scf.yield %add3A_354, %add3A_357, %add3A_360, %add3A_363 : vector<16xf32>, vector<16xf32>, vector<16xf32>, vector<16xf32>
    }
    %scan3A_46 = arith.constant 200 : i32
    %swap3A = arith.constant 0 : index
    %swap3A_47 = tpu.vector_load %arg9[%swap3A] {strides = array<i32>} : memref<512xf32, #tpu.memory_space<vmem>>, vector<16xf32>,
    tpu.vector_store %arg9[%swap3A], %scan3A_45#0 {strides = array<i32>} : memref<512xf32, #tpu.memory_space<vmem>>, vector<16xf32>,
    %swap3A_48 = arith.constant 16 : index
    %swap3A_49 = tpu.vector_load %arg9[%swap3A_48] {strides = array<i32>} : memref<512xf32, #tpu.memory_space<vmem>>, vector<16xf32>,
    tpu.vector_store %arg9[%swap3A_48], %scan3A_45#1 {strides = array<i32>} : memref<512xf32, #tpu.memory_space<vmem>>, vector<16xf32>,
    %swap3A_50 = arith.constant 32 : index
    %swap3A_51 = tpu.vector_load %arg9[%swap3A_50] {strides = array<i32>} : memref<512xf32, #tpu.memory_space<vmem>>, vector<16xf32>,
    tpu.vector_store %arg9[%swap3A_50], %scan3A_45#2 {strides = array<i32>} : memref<512xf32, #tpu.memory_space<vmem>>, vector<16xf32>,
    %swap3A_52 = arith.constant 48 : index
    %swap3A_53 = tpu.vector_load %arg9[%swap3A_52] {strides = array<i32>} : memref<512xf32, #tpu.memory_space<vmem>>, vector<16xf32>,
    tpu.vector_store %arg9[%swap3A_52], %scan3A_45#3 {strides = array<i32>} : memref<512xf32, #tpu.memory_space<vmem>>, vector<16xf32>,
    %add3A_54 = arith.constant 96 : i32
    %add3A_55 = arith.addi %mul3A_2, %add3A_54 : i32
    %dma_start3A_56 = arith.constant 0 : i32
    %dma_start3A_57 = tpu.memref_slice %arg3[%add3A_55, %dma_start3A_56] : memref<16384x200xi32, #tpu.memory_space<hbm>> -> memref<32x200xi32, #tpu.memory_space<hbm>>
    %dma_start3A_58 = arith.constant 0 : i32
    %dma_start3A_59 = tpu.memref_slice %arg3[%add3A_55, %dma_start3A_58] : memref<16384x200xi32, #tpu.memory_space<hbm>> -> memref<32x200xi32, #tpu.memory_space<hbm>>
    tpu.enqueue_dma source(%dma_start3A_59 : memref<32x200xi32, #tpu.memory_space<hbm>>) target(%arg6 : memref<32x200xi32, #tpu.memory_space<vmem>>) target_semaphore(%arg11 : memref<!tpu.dma_semaphore, #tpu.memory_space<semaphore_mem>>)
    %add3A_60 = arith.constant 128 : i32
    %add3A_61 = arith.addi %mul3A_2, %add3A_60 : i32
    %dma_start3A_62 = arith.constant 0 : i32
    %dma_start3A_63 = tpu.memref_slice %arg3[%add3A_61, %dma_start3A_62] : memref<16384x200xi32, #tpu.memory_space<hbm>> -> memref<32x200xi32, #tpu.memory_space<hbm>>
    %dma_start3A_64 = arith.constant 0 : i32
    %dma_start3A_65 = tpu.memref_slice %arg3[%add3A_61, %dma_start3A_64] : memref<16384x200xi32, #tpu.memory_space<hbm>> -> memref<32x200xi32, #tpu.memory_space<hbm>>
    tpu.enqueue_dma source(%dma_start3A_65 : memref<32x200xi32, #tpu.memory_space<hbm>>) target(%arg7 : memref<32x200xi32, #tpu.memory_space<vmem>>) target_semaphore(%arg12 : memref<!tpu.dma_semaphore, #tpu.memory_space<semaphore_mem>>)
    %dma_wait3A_66 = arith.constant 0 : i32
    %dma_wait3A_67 = tpu.memref_slice %arg3[%add3A_15, %dma_wait3A_66] : memref<16384x200xi32, #tpu.memory_space<hbm>> -> memref<32x200xi32, #tpu.memory_space<hbm>>
    %dma_wait3A_68 = arith.constant 0 : i32
    %dma_wait3A_69 = tpu.memref_slice %arg3[%add3A_15, %dma_wait3A_68] : memref<16384x200xi32, #tpu.memory_space<hbm>> -> memref<32x200xi32, #tpu.memory_space<hbm>>
    tpu.wait_dma2 semaphore(%arg13 : memref<!tpu.dma_semaphore, #tpu.memory_space<semaphore_mem>>) src(%dma_wait3A_69 : memref<32x200xi32, #tpu.memory_space<hbm>>) dst(%arg8 : memref<32x200xi32, #tpu.memory_space<vmem>>)
    %dma_wait3A_70 = arith.constant 0 : i32
    %dma_wait3A_71 = tpu.memref_slice %arg3[%add3A_55, %dma_wait3A_70] : memref<16384x200xi32, #tpu.memory_space<hbm>> -> memref<32x200xi32, #tpu.memory_space<hbm>>
    %dma_wait3A_72 = arith.constant 0 : i32
    %dma_wait3A_73 = tpu.memref_slice %arg3[%add3A_55, %dma_wait3A_72] : memref<16384x200xi32, #tpu.memory_space<hbm>> -> memref<32x200xi32, #tpu.memory_space<hbm>>
    tpu.wait_dma2 semaphore(%arg11 : memref<!tpu.dma_semaphore, #tpu.memory_space<semaphore_mem>>) src(%dma_wait3A_73 : memref<32x200xi32, #tpu.memory_space<hbm>>) dst(%arg6 : memref<32x200xi32, #tpu.memory_space<vmem>>)
    %broadcast_in_dim3A_74 = arith.constant 0.000000e+00 : f32
    %broadcast_in_dim3A_75 = vector.broadcast %broadcast_in_dim3A_74 : f32 to vector<16xf32>
    %broadcast_in_dim3A_76 = arith.constant 0.000000e+00 : f32
    %broadcast_in_dim3A_77 = vector.broadcast %broadcast_in_dim3A_76 : f32 to vector<16xf32>
    %broadcast_in_dim3A_78 = arith.constant 0.000000e+00 : f32
    %broadcast_in_dim3A_79 = vector.broadcast %broadcast_in_dim3A_78 : f32 to vector<16xf32>
    %broadcast_in_dim3A_80 = arith.constant 0.000000e+00 : f32
    %broadcast_in_dim3A_81 = vector.broadcast %broadcast_in_dim3A_80 : f32 to vector<16xf32>
    %scan3A_82 = arith.constant 0 : i32
    %scan3A_83 = arith.constant 200 : i32
    %scan3A_84 = arith.addi %scan3A_82, %scan3A_83 : i32
    %scan3A_85 = arith.constant 1 : i32
    %scan3A_86:4 = scf.for %scan3A_342 = %scan3A_82 to %scan3A_84 step %scan3A_85 iter_args(%scan3A_343 = %broadcast_in_dim3A_75, %scan3A_344 = %broadcast_in_dim3A_77, %scan3A_345 = %broadcast_in_dim3A_79, %scan3A_346 = %broadcast_in_dim3A_81) -> (vector<16xf32>, vector<16xf32>, vector<16xf32>, vector<16xf32>)  : i32 {
      %add3A_347 = vector.broadcast %scan3A_342 : i32 to vector<16xi32>
      %add3A_348 = arith.addi %iota3A_27, %add3A_347 : vector<16xi32>
      %ge3A = arith.constant 200 : i32
      %ge3A_349 = vector.broadcast %ge3A : i32 to vector<16xi32>
      %ge3A_350 = arith.cmpi sge, %add3A_348, %ge3A_349 : vector<16xi32>
      %sub3A = arith.constant 200 : i32
      %sub3A_351 = vector.broadcast %sub3A : i32 to vector<16xi32>
      %sub3A_352 = arith.subi %add3A_348, %sub3A_351 : vector<16xi32>
      %select_n3A = arith.select %ge3A_350, %sub3A_352, %add3A_348 : vector<16xi1>, vector<16xi32>
      %gather3A = tpu.vector_load_idx %arg8[%add3A_22, %select_n3A] : memref<32x200xi32, #tpu.memory_space<vmem>>[vector<16xi32>, vector<16xi32>], vector<16xi32>,
      %gather3A_353 = tpu.vector_load_idx %arg5[%gather3A] : memref<100000xf32, #tpu.memory_space<vmem>>[vector<16xi32>], vector<16xf32>,
      %add3A_354 = arith.addf %scan3A_343, %gather3A_353 : vector<16xf32>
      %gather3A_355 = tpu.vector_load_idx %arg8[%add3A_26, %select_n3A] : memref<32x200xi32, #tpu.memory_space<vmem>>[vector<16xi32>, vector<16xi32>], vector<16xi32>,
      %gather3A_356 = tpu.vector_load_idx %arg5[%gather3A_355] : memref<100000xf32, #tpu.memory_space<vmem>>[vector<16xi32>], vector<16xf32>,
      %add3A_357 = arith.addf %scan3A_344, %gather3A_356 : vector<16xf32>
      %gather3A_358 = tpu.vector_load_idx %arg6[%add3A_22, %select_n3A] : memref<32x200xi32, #tpu.memory_space<vmem>>[vector<16xi32>, vector<16xi32>], vector<16xi32>,
      %gather3A_359 = tpu.vector_load_idx %arg5[%gather3A_358] : memref<100000xf32, #tpu.memory_space<vmem>>[vector<16xi32>], vector<16xf32>,
      %add3A_360 = arith.addf %scan3A_345, %gather3A_359 : vector<16xf32>
      %gather3A_361 = tpu.vector_load_idx %arg6[%add3A_26, %select_n3A] : memref<32x200xi32, #tpu.memory_space<vmem>>[vector<16xi32>, vector<16xi32>], vector<16xi32>,
      %gather3A_362 = tpu.vector_load_idx %arg5[%gather3A_361] : memref<100000xf32, #tpu.memory_space<vmem>>[vector<16xi32>], vector<16xf32>,
      %add3A_363 = arith.addf %scan3A_346, %gather3A_362 : vector<16xf32>
      scf.yield %add3A_354, %add3A_357, %add3A_360, %add3A_363 : vector<16xf32>, vector<16xf32>, vector<16xf32>, vector<16xf32>
    }
    %scan3A_87 = arith.constant 200 : i32
    %swap3A_88 = arith.constant 64 : index
    %swap3A_89 = tpu.vector_load %arg9[%swap3A_88] {strides = array<i32>} : memref<512xf32, #tpu.memory_space<vmem>>, vector<16xf32>,
    tpu.vector_store %arg9[%swap3A_88], %scan3A_86#0 {strides = array<i32>} : memref<512xf32, #tpu.memory_space<vmem>>, vector<16xf32>,
    %swap3A_90 = arith.constant 80 : index
    %swap3A_91 = tpu.vector_load %arg9[%swap3A_90] {strides = array<i32>} : memref<512xf32, #tpu.memory_space<vmem>>, vector<16xf32>,
    tpu.vector_store %arg9[%swap3A_90], %scan3A_86#1 {strides = array<i32>} : memref<512xf32, #tpu.memory_space<vmem>>, vector<16xf32>,
    %swap3A_92 = arith.constant 96 : index
    %swap3A_93 = tpu.vector_load %arg9[%swap3A_92] {strides = array<i32>} : memref<512xf32, #tpu.memory_space<vmem>>, vector<16xf32>,
    tpu.vector_store %arg9[%swap3A_92], %scan3A_86#2 {strides = array<i32>} : memref<512xf32, #tpu.memory_space<vmem>>, vector<16xf32>,
    %swap3A_94 = arith.constant 112 : index
    %swap3A_95 = tpu.vector_load %arg9[%swap3A_94] {strides = array<i32>} : memref<512xf32, #tpu.memory_space<vmem>>, vector<16xf32>,
    tpu.vector_store %arg9[%swap3A_94], %scan3A_86#3 {strides = array<i32>} : memref<512xf32, #tpu.memory_space<vmem>>, vector<16xf32>,
    %add3A_96 = arith.constant 160 : i32
    %add3A_97 = arith.addi %mul3A_2, %add3A_96 : i32
    %dma_start3A_98 = arith.constant 0 : i32
    %dma_start3A_99 = tpu.memref_slice %arg3[%add3A_97, %dma_start3A_98] : memref<16384x200xi32, #tpu.memory_space<hbm>> -> memref<32x200xi32, #tpu.memory_space<hbm>>
    %dma_start3A_100 = arith.constant 0 : i32
    %dma_start3A_101 = tpu.memref_slice %arg3[%add3A_97, %dma_start3A_100] : memref<16384x200xi32, #tpu.memory_space<hbm>> -> memref<32x200xi32, #tpu.memory_space<hbm>>
    tpu.enqueue_dma source(%dma_start3A_101 : memref<32x200xi32, #tpu.memory_space<hbm>>) target(%arg8 : memref<32x200xi32, #tpu.memory_space<vmem>>) target_semaphore(%arg13 : memref<!tpu.dma_semaphore, #tpu.memory_space<semaphore_mem>>)
    %add3A_102 = arith.constant 192 : i32
    %add3A_103 = arith.addi %mul3A_2, %add3A_102 : i32
    %dma_start3A_104 = arith.constant 0 : i32
    %dma_start3A_105 = tpu.memref_slice %arg3[%add3A_103, %dma_start3A_104] : memref<16384x200xi32, #tpu.memory_space<hbm>> -> memref<32x200xi32, #tpu.memory_space<hbm>>
    %dma_start3A_106 = arith.constant 0 : i32
    %dma_start3A_107 = tpu.memref_slice %arg3[%add3A_103, %dma_start3A_106] : memref<16384x200xi32, #tpu.memory_space<hbm>> -> memref<32x200xi32, #tpu.memory_space<hbm>>
    tpu.enqueue_dma source(%dma_start3A_107 : memref<32x200xi32, #tpu.memory_space<hbm>>) target(%arg6 : memref<32x200xi32, #tpu.memory_space<vmem>>) target_semaphore(%arg11 : memref<!tpu.dma_semaphore, #tpu.memory_space<semaphore_mem>>)
    %dma_wait3A_108 = arith.constant 0 : i32
    %dma_wait3A_109 = tpu.memref_slice %arg3[%add3A_61, %dma_wait3A_108] : memref<16384x200xi32, #tpu.memory_space<hbm>> -> memref<32x200xi32, #tpu.memory_space<hbm>>
    %dma_wait3A_110 = arith.constant 0 : i32
    %dma_wait3A_111 = tpu.memref_slice %arg3[%add3A_61, %dma_wait3A_110] : memref<16384x200xi32, #tpu.memory_space<hbm>> -> memref<32x200xi32, #tpu.memory_space<hbm>>
    tpu.wait_dma2 semaphore(%arg12 : memref<!tpu.dma_semaphore, #tpu.memory_space<semaphore_mem>>) src(%dma_wait3A_111 : memref<32x200xi32, #tpu.memory_space<hbm>>) dst(%arg7 : memref<32x200xi32, #tpu.memory_space<vmem>>)
    %dma_wait3A_112 = arith.constant 0 : i32
    %dma_wait3A_113 = tpu.memref_slice %arg3[%add3A_97, %dma_wait3A_112] : memref<16384x200xi32, #tpu.memory_space<hbm>> -> memref<32x200xi32, #tpu.memory_space<hbm>>
    %dma_wait3A_114 = arith.constant 0 : i32
    %dma_wait3A_115 = tpu.memref_slice %arg3[%add3A_97, %dma_wait3A_114] : memref<16384x200xi32, #tpu.memory_space<hbm>> -> memref<32x200xi32, #tpu.memory_space<hbm>>
    tpu.wait_dma2 semaphore(%arg13 : memref<!tpu.dma_semaphore, #tpu.memory_space<semaphore_mem>>) src(%dma_wait3A_115 : memref<32x200xi32, #tpu.memory_space<hbm>>) dst(%arg8 : memref<32x200xi32, #tpu.memory_space<vmem>>)
    %broadcast_in_dim3A_116 = arith.constant 0.000000e+00 : f32
    %broadcast_in_dim3A_117 = vector.broadcast %broadcast_in_dim3A_116 : f32 to vector<16xf32>
    %broadcast_in_dim3A_118 = arith.constant 0.000000e+00 : f32
    %broadcast_in_dim3A_119 = vector.broadcast %broadcast_in_dim3A_118 : f32 to vector<16xf32>
    %broadcast_in_dim3A_120 = arith.constant 0.000000e+00 : f32
    %broadcast_in_dim3A_121 = vector.broadcast %broadcast_in_dim3A_120 : f32 to vector<16xf32>
    %broadcast_in_dim3A_122 = arith.constant 0.000000e+00 : f32
    %broadcast_in_dim3A_123 = vector.broadcast %broadcast_in_dim3A_122 : f32 to vector<16xf32>
    %scan3A_124 = arith.constant 0 : i32
    %scan3A_125 = arith.constant 200 : i32
    %scan3A_126 = arith.addi %scan3A_124, %scan3A_125 : i32
    %scan3A_127 = arith.constant 1 : i32
    %scan3A_128:4 = scf.for %scan3A_342 = %scan3A_124 to %scan3A_126 step %scan3A_127 iter_args(%scan3A_343 = %broadcast_in_dim3A_117, %scan3A_344 = %broadcast_in_dim3A_119, %scan3A_345 = %broadcast_in_dim3A_121, %scan3A_346 = %broadcast_in_dim3A_123) -> (vector<16xf32>, vector<16xf32>, vector<16xf32>, vector<16xf32>)  : i32 {
      %add3A_347 = vector.broadcast %scan3A_342 : i32 to vector<16xi32>
      %add3A_348 = arith.addi %iota3A_27, %add3A_347 : vector<16xi32>
      %ge3A = arith.constant 200 : i32
      %ge3A_349 = vector.broadcast %ge3A : i32 to vector<16xi32>
      %ge3A_350 = arith.cmpi sge, %add3A_348, %ge3A_349 : vector<16xi32>
      %sub3A = arith.constant 200 : i32
      %sub3A_351 = vector.broadcast %sub3A : i32 to vector<16xi32>
      %sub3A_352 = arith.subi %add3A_348, %sub3A_351 : vector<16xi32>
      %select_n3A = arith.select %ge3A_350, %sub3A_352, %add3A_348 : vector<16xi1>, vector<16xi32>
      %gather3A = tpu.vector_load_idx %arg7[%add3A_22, %select_n3A] : memref<32x200xi32, #tpu.memory_space<vmem>>[vector<16xi32>, vector<16xi32>], vector<16xi32>,
      %gather3A_353 = tpu.vector_load_idx %arg5[%gather3A] : memref<100000xf32, #tpu.memory_space<vmem>>[vector<16xi32>], vector<16xf32>,
      %add3A_354 = arith.addf %scan3A_343, %gather3A_353 : vector<16xf32>
      %gather3A_355 = tpu.vector_load_idx %arg7[%add3A_26, %select_n3A] : memref<32x200xi32, #tpu.memory_space<vmem>>[vector<16xi32>, vector<16xi32>], vector<16xi32>,
      %gather3A_356 = tpu.vector_load_idx %arg5[%gather3A_355] : memref<100000xf32, #tpu.memory_space<vmem>>[vector<16xi32>], vector<16xf32>,
      %add3A_357 = arith.addf %scan3A_344, %gather3A_356 : vector<16xf32>
      %gather3A_358 = tpu.vector_load_idx %arg8[%add3A_22, %select_n3A] : memref<32x200xi32, #tpu.memory_space<vmem>>[vector<16xi32>, vector<16xi32>], vector<16xi32>,
      %gather3A_359 = tpu.vector_load_idx %arg5[%gather3A_358] : memref<100000xf32, #tpu.memory_space<vmem>>[vector<16xi32>], vector<16xf32>,
      %add3A_360 = arith.addf %scan3A_345, %gather3A_359 : vector<16xf32>
      %gather3A_361 = tpu.vector_load_idx %arg8[%add3A_26, %select_n3A] : memref<32x200xi32, #tpu.memory_space<vmem>>[vector<16xi32>, vector<16xi32>], vector<16xi32>,
      %gather3A_362 = tpu.vector_load_idx %arg5[%gather3A_361] : memref<100000xf32, #tpu.memory_space<vmem>>[vector<16xi32>], vector<16xf32>,
      %add3A_363 = arith.addf %scan3A_346, %gather3A_362 : vector<16xf32>
      scf.yield %add3A_354, %add3A_357, %add3A_360, %add3A_363 : vector<16xf32>, vector<16xf32>, vector<16xf32>, vector<16xf32>
    }
    %scan3A_129 = arith.constant 200 : i32
    %swap3A_130 = arith.constant 128 : index
    %swap3A_131 = tpu.vector_load %arg9[%swap3A_130] {strides = array<i32>} : memref<512xf32, #tpu.memory_space<vmem>>, vector<16xf32>,
    tpu.vector_store %arg9[%swap3A_130], %scan3A_128#0 {strides = array<i32>} : memref<512xf32, #tpu.memory_space<vmem>>, vector<16xf32>,
    %swap3A_132 = arith.constant 144 : index
    %swap3A_133 = tpu.vector_load %arg9[%swap3A_132] {strides = array<i32>} : memref<512xf32, #tpu.memory_space<vmem>>, vector<16xf32>,
    tpu.vector_store %arg9[%swap3A_132], %scan3A_128#1 {strides = array<i32>} : memref<512xf32, #tpu.memory_space<vmem>>, vector<16xf32>,
    %swap3A_134 = arith.constant 160 : index
    %swap3A_135 = tpu.vector_load %arg9[%swap3A_134] {strides = array<i32>} : memref<512xf32, #tpu.memory_space<vmem>>, vector<16xf32>,
    tpu.vector_store %arg9[%swap3A_134], %scan3A_128#2 {strides = array<i32>} : memref<512xf32, #tpu.memory_space<vmem>>, vector<16xf32>,
    %swap3A_136 = arith.constant 176 : index
    %swap3A_137 = tpu.vector_load %arg9[%swap3A_136] {strides = array<i32>} : memref<512xf32, #tpu.memory_space<vmem>>, vector<16xf32>,
    tpu.vector_store %arg9[%swap3A_136], %scan3A_128#3 {strides = array<i32>} : memref<512xf32, #tpu.memory_space<vmem>>, vector<16xf32>,
    %add3A_138 = arith.constant 224 : i32
    %add3A_139 = arith.addi %mul3A_2, %add3A_138 : i32
    %dma_start3A_140 = arith.constant 0 : i32
    %dma_start3A_141 = tpu.memref_slice %arg3[%add3A_139, %dma_start3A_140] : memref<16384x200xi32, #tpu.memory_space<hbm>> -> memref<32x200xi32, #tpu.memory_space<hbm>>
    %dma_start3A_142 = arith.constant 0 : i32
    %dma_start3A_143 = tpu.memref_slice %arg3[%add3A_139, %dma_start3A_142] : memref<16384x200xi32, #tpu.memory_space<hbm>> -> memref<32x200xi32, #tpu.memory_space<hbm>>
    tpu.enqueue_dma source(%dma_start3A_143 : memref<32x200xi32, #tpu.memory_space<hbm>>) target(%arg7 : memref<32x200xi32, #tpu.memory_space<vmem>>) target_semaphore(%arg12 : memref<!tpu.dma_semaphore, #tpu.memory_space<semaphore_mem>>)
    %add3A_144 = arith.constant 256 : i32
    %add3A_145 = arith.addi %mul3A_2, %add3A_144 : i32
    %dma_start3A_146 = arith.constant 0 : i32
    %dma_start3A_147 = tpu.memref_slice %arg3[%add3A_145, %dma_start3A_146] : memref<16384x200xi32, #tpu.memory_space<hbm>> -> memref<32x200xi32, #tpu.memory_space<hbm>>
    %dma_start3A_148 = arith.constant 0 : i32
    %dma_start3A_149 = tpu.memref_slice %arg3[%add3A_145, %dma_start3A_148] : memref<16384x200xi32, #tpu.memory_space<hbm>> -> memref<32x200xi32, #tpu.memory_space<hbm>>
    tpu.enqueue_dma source(%dma_start3A_149 : memref<32x200xi32, #tpu.memory_space<hbm>>) target(%arg8 : memref<32x200xi32, #tpu.memory_space<vmem>>) target_semaphore(%arg13 : memref<!tpu.dma_semaphore, #tpu.memory_space<semaphore_mem>>)
    %dma_wait3A_150 = arith.constant 0 : i32
    %dma_wait3A_151 = tpu.memref_slice %arg3[%add3A_103, %dma_wait3A_150] : memref<16384x200xi32, #tpu.memory_space<hbm>> -> memref<32x200xi32, #tpu.memory_space<hbm>>
    %dma_wait3A_152 = arith.constant 0 : i32
    %dma_wait3A_153 = tpu.memref_slice %arg3[%add3A_103, %dma_wait3A_152] : memref<16384x200xi32, #tpu.memory_space<hbm>> -> memref<32x200xi32, #tpu.memory_space<hbm>>
    tpu.wait_dma2 semaphore(%arg11 : memref<!tpu.dma_semaphore, #tpu.memory_space<semaphore_mem>>) src(%dma_wait3A_153 : memref<32x200xi32, #tpu.memory_space<hbm>>) dst(%arg6 : memref<32x200xi32, #tpu.memory_space<vmem>>)
    %dma_wait3A_154 = arith.constant 0 : i32
    %dma_wait3A_155 = tpu.memref_slice %arg3[%add3A_139, %dma_wait3A_154] : memref<16384x200xi32, #tpu.memory_space<hbm>> -> memref<32x200xi32, #tpu.memory_space<hbm>>
    %dma_wait3A_156 = arith.constant 0 : i32
    %dma_wait3A_157 = tpu.memref_slice %arg3[%add3A_139, %dma_wait3A_156] : memref<16384x200xi32, #tpu.memory_space<hbm>> -> memref<32x200xi32, #tpu.memory_space<hbm>>
    tpu.wait_dma2 semaphore(%arg12 : memref<!tpu.dma_semaphore, #tpu.memory_space<semaphore_mem>>) src(%dma_wait3A_157 : memref<32x200xi32, #tpu.memory_space<hbm>>) dst(%arg7 : memref<32x200xi32, #tpu.memory_space<vmem>>)
    %broadcast_in_dim3A_158 = arith.constant 0.000000e+00 : f32
    %broadcast_in_dim3A_159 = vector.broadcast %broadcast_in_dim3A_158 : f32 to vector<16xf32>
    %broadcast_in_dim3A_160 = arith.constant 0.000000e+00 : f32
    %broadcast_in_dim3A_161 = vector.broadcast %broadcast_in_dim3A_160 : f32 to vector<16xf32>
    %broadcast_in_dim3A_162 = arith.constant 0.000000e+00 : f32
    %broadcast_in_dim3A_163 = vector.broadcast %broadcast_in_dim3A_162 : f32 to vector<16xf32>
    %broadcast_in_dim3A_164 = arith.constant 0.000000e+00 : f32
    %broadcast_in_dim3A_165 = vector.broadcast %broadcast_in_dim3A_164 : f32 to vector<16xf32>
    %scan3A_166 = arith.constant 0 : i32
    %scan3A_167 = arith.constant 200 : i32
    %scan3A_168 = arith.addi %scan3A_166, %scan3A_167 : i32
    %scan3A_169 = arith.constant 1 : i32
    %scan3A_170:4 = scf.for %scan3A_342 = %scan3A_166 to %scan3A_168 step %scan3A_169 iter_args(%scan3A_343 = %broadcast_in_dim3A_159, %scan3A_344 = %broadcast_in_dim3A_161, %scan3A_345 = %broadcast_in_dim3A_163, %scan3A_346 = %broadcast_in_dim3A_165) -> (vector<16xf32>, vector<16xf32>, vector<16xf32>, vector<16xf32>)  : i32 {
      %add3A_347 = vector.broadcast %scan3A_342 : i32 to vector<16xi32>
      %add3A_348 = arith.addi %iota3A_27, %add3A_347 : vector<16xi32>
      %ge3A = arith.constant 200 : i32
      %ge3A_349 = vector.broadcast %ge3A : i32 to vector<16xi32>
      %ge3A_350 = arith.cmpi sge, %add3A_348, %ge3A_349 : vector<16xi32>
      %sub3A = arith.constant 200 : i32
      %sub3A_351 = vector.broadcast %sub3A : i32 to vector<16xi32>
      %sub3A_352 = arith.subi %add3A_348, %sub3A_351 : vector<16xi32>
      %select_n3A = arith.select %ge3A_350, %sub3A_352, %add3A_348 : vector<16xi1>, vector<16xi32>
      %gather3A = tpu.vector_load_idx %arg6[%add3A_22, %select_n3A] : memref<32x200xi32, #tpu.memory_space<vmem>>[vector<16xi32>, vector<16xi32>], vector<16xi32>,
      %gather3A_353 = tpu.vector_load_idx %arg5[%gather3A] : memref<100000xf32, #tpu.memory_space<vmem>>[vector<16xi32>], vector<16xf32>,
      %add3A_354 = arith.addf %scan3A_343, %gather3A_353 : vector<16xf32>
      %gather3A_355 = tpu.vector_load_idx %arg6[%add3A_26, %select_n3A] : memref<32x200xi32, #tpu.memory_space<vmem>>[vector<16xi32>, vector<16xi32>], vector<16xi32>,
      %gather3A_356 = tpu.vector_load_idx %arg5[%gather3A_355] : memref<100000xf32, #tpu.memory_space<vmem>>[vector<16xi32>], vector<16xf32>,
      %add3A_357 = arith.addf %scan3A_344, %gather3A_356 : vector<16xf32>
      %gather3A_358 = tpu.vector_load_idx %arg7[%add3A_22, %select_n3A] : memref<32x200xi32, #tpu.memory_space<vmem>>[vector<16xi32>, vector<16xi32>], vector<16xi32>,
      %gather3A_359 = tpu.vector_load_idx %arg5[%gather3A_358] : memref<100000xf32, #tpu.memory_space<vmem>>[vector<16xi32>], vector<16xf32>,
      %add3A_360 = arith.addf %scan3A_345, %gather3A_359 : vector<16xf32>
      %gather3A_361 = tpu.vector_load_idx %arg7[%add3A_26, %select_n3A] : memref<32x200xi32, #tpu.memory_space<vmem>>[vector<16xi32>, vector<16xi32>], vector<16xi32>,
      %gather3A_362 = tpu.vector_load_idx %arg5[%gather3A_361] : memref<100000xf32, #tpu.memory_space<vmem>>[vector<16xi32>], vector<16xf32>,
      %add3A_363 = arith.addf %scan3A_346, %gather3A_362 : vector<16xf32>
      scf.yield %add3A_354, %add3A_357, %add3A_360, %add3A_363 : vector<16xf32>, vector<16xf32>, vector<16xf32>, vector<16xf32>
    }
    %scan3A_171 = arith.constant 200 : i32
    %swap3A_172 = arith.constant 192 : index
    %swap3A_173 = tpu.vector_load %arg9[%swap3A_172] {strides = array<i32>} : memref<512xf32, #tpu.memory_space<vmem>>, vector<16xf32>,
    tpu.vector_store %arg9[%swap3A_172], %scan3A_170#0 {strides = array<i32>} : memref<512xf32, #tpu.memory_space<vmem>>, vector<16xf32>,
    %swap3A_174 = arith.constant 208 : index
    %swap3A_175 = tpu.vector_load %arg9[%swap3A_174] {strides = array<i32>} : memref<512xf32, #tpu.memory_space<vmem>>, vector<16xf32>,
    tpu.vector_store %arg9[%swap3A_174], %scan3A_170#1 {strides = array<i32>} : memref<512xf32, #tpu.memory_space<vmem>>, vector<16xf32>,
    %swap3A_176 = arith.constant 224 : index
    %swap3A_177 = tpu.vector_load %arg9[%swap3A_176] {strides = array<i32>} : memref<512xf32, #tpu.memory_space<vmem>>, vector<16xf32>,
    tpu.vector_store %arg9[%swap3A_176], %scan3A_170#2 {strides = array<i32>} : memref<512xf32, #tpu.memory_space<vmem>>, vector<16xf32>,
    %swap3A_178 = arith.constant 240 : index
    %swap3A_179 = tpu.vector_load %arg9[%swap3A_178] {strides = array<i32>} : memref<512xf32, #tpu.memory_space<vmem>>, vector<16xf32>,
    tpu.vector_store %arg9[%swap3A_178], %scan3A_170#3 {strides = array<i32>} : memref<512xf32, #tpu.memory_space<vmem>>, vector<16xf32>,
    %add3A_180 = arith.constant 288 : i32
    %add3A_181 = arith.addi %mul3A_2, %add3A_180 : i32
    %dma_start3A_182 = arith.constant 0 : i32
    %dma_start3A_183 = tpu.memref_slice %arg3[%add3A_181, %dma_start3A_182] : memref<16384x200xi32, #tpu.memory_space<hbm>> -> memref<32x200xi32, #tpu.memory_space<hbm>>
    %dma_start3A_184 = arith.constant 0 : i32
    %dma_start3A_185 = tpu.memref_slice %arg3[%add3A_181, %dma_start3A_184] : memref<16384x200xi32, #tpu.memory_space<hbm>> -> memref<32x200xi32, #tpu.memory_space<hbm>>
    tpu.enqueue_dma source(%dma_start3A_185 : memref<32x200xi32, #tpu.memory_space<hbm>>) target(%arg6 : memref<32x200xi32, #tpu.memory_space<vmem>>) target_semaphore(%arg11 : memref<!tpu.dma_semaphore, #tpu.memory_space<semaphore_mem>>)
    %add3A_186 = arith.constant 320 : i32
    %add3A_187 = arith.addi %mul3A_2, %add3A_186 : i32
    %dma_start3A_188 = arith.constant 0 : i32
    %dma_start3A_189 = tpu.memref_slice %arg3[%add3A_187, %dma_start3A_188] : memref<16384x200xi32, #tpu.memory_space<hbm>> -> memref<32x200xi32, #tpu.memory_space<hbm>>
    %dma_start3A_190 = arith.constant 0 : i32
    %dma_start3A_191 = tpu.memref_slice %arg3[%add3A_187, %dma_start3A_190] : memref<16384x200xi32, #tpu.memory_space<hbm>> -> memref<32x200xi32, #tpu.memory_space<hbm>>
    tpu.enqueue_dma source(%dma_start3A_191 : memref<32x200xi32, #tpu.memory_space<hbm>>) target(%arg7 : memref<32x200xi32, #tpu.memory_space<vmem>>) target_semaphore(%arg12 : memref<!tpu.dma_semaphore, #tpu.memory_space<semaphore_mem>>)
    %dma_wait3A_192 = arith.constant 0 : i32
    %dma_wait3A_193 = tpu.memref_slice %arg3[%add3A_145, %dma_wait3A_192] : memref<16384x200xi32, #tpu.memory_space<hbm>> -> memref<32x200xi32, #tpu.memory_space<hbm>>
    %dma_wait3A_194 = arith.constant 0 : i32
    %dma_wait3A_195 = tpu.memref_slice %arg3[%add3A_145, %dma_wait3A_194] : memref<16384x200xi32, #tpu.memory_space<hbm>> -> memref<32x200xi32, #tpu.memory_space<hbm>>
    tpu.wait_dma2 semaphore(%arg13 : memref<!tpu.dma_semaphore, #tpu.memory_space<semaphore_mem>>) src(%dma_wait3A_195 : memref<32x200xi32, #tpu.memory_space<hbm>>) dst(%arg8 : memref<32x200xi32, #tpu.memory_space<vmem>>)
    %dma_wait3A_196 = arith.constant 0 : i32
    %dma_wait3A_197 = tpu.memref_slice %arg3[%add3A_181, %dma_wait3A_196] : memref<16384x200xi32, #tpu.memory_space<hbm>> -> memref<32x200xi32, #tpu.memory_space<hbm>>
    %dma_wait3A_198 = arith.constant 0 : i32
    %dma_wait3A_199 = tpu.memref_slice %arg3[%add3A_181, %dma_wait3A_198] : memref<16384x200xi32, #tpu.memory_space<hbm>> -> memref<32x200xi32, #tpu.memory_space<hbm>>
    tpu.wait_dma2 semaphore(%arg11 : memref<!tpu.dma_semaphore, #tpu.memory_space<semaphore_mem>>) src(%dma_wait3A_199 : memref<32x200xi32, #tpu.memory_space<hbm>>) dst(%arg6 : memref<32x200xi32, #tpu.memory_space<vmem>>)
    %broadcast_in_dim3A_200 = arith.constant 0.000000e+00 : f32
    %broadcast_in_dim3A_201 = vector.broadcast %broadcast_in_dim3A_200 : f32 to vector<16xf32>
    %broadcast_in_dim3A_202 = arith.constant 0.000000e+00 : f32
    %broadcast_in_dim3A_203 = vector.broadcast %broadcast_in_dim3A_202 : f32 to vector<16xf32>
    %broadcast_in_dim3A_204 = arith.constant 0.000000e+00 : f32
    %broadcast_in_dim3A_205 = vector.broadcast %broadcast_in_dim3A_204 : f32 to vector<16xf32>
    %broadcast_in_dim3A_206 = arith.constant 0.000000e+00 : f32
    %broadcast_in_dim3A_207 = vector.broadcast %broadcast_in_dim3A_206 : f32 to vector<16xf32>
    %scan3A_208 = arith.constant 0 : i32
    %scan3A_209 = arith.constant 200 : i32
    %scan3A_210 = arith.addi %scan3A_208, %scan3A_209 : i32
    %scan3A_211 = arith.constant 1 : i32
    %scan3A_212:4 = scf.for %scan3A_342 = %scan3A_208 to %scan3A_210 step %scan3A_211 iter_args(%scan3A_343 = %broadcast_in_dim3A_201, %scan3A_344 = %broadcast_in_dim3A_203, %scan3A_345 = %broadcast_in_dim3A_205, %scan3A_346 = %broadcast_in_dim3A_207) -> (vector<16xf32>, vector<16xf32>, vector<16xf32>, vector<16xf32>)  : i32 {
      %add3A_347 = vector.broadcast %scan3A_342 : i32 to vector<16xi32>
      %add3A_348 = arith.addi %iota3A_27, %add3A_347 : vector<16xi32>
      %ge3A = arith.constant 200 : i32
      %ge3A_349 = vector.broadcast %ge3A : i32 to vector<16xi32>
      %ge3A_350 = arith.cmpi sge, %add3A_348, %ge3A_349 : vector<16xi32>
      %sub3A = arith.constant 200 : i32
      %sub3A_351 = vector.broadcast %sub3A : i32 to vector<16xi32>
      %sub3A_352 = arith.subi %add3A_348, %sub3A_351 : vector<16xi32>
      %select_n3A = arith.select %ge3A_350, %sub3A_352, %add3A_348 : vector<16xi1>, vector<16xi32>
      %gather3A = tpu.vector_load_idx %arg8[%add3A_22, %select_n3A] : memref<32x200xi32, #tpu.memory_space<vmem>>[vector<16xi32>, vector<16xi32>], vector<16xi32>,
      %gather3A_353 = tpu.vector_load_idx %arg5[%gather3A] : memref<100000xf32, #tpu.memory_space<vmem>>[vector<16xi32>], vector<16xf32>,
      %add3A_354 = arith.addf %scan3A_343, %gather3A_353 : vector<16xf32>
      %gather3A_355 = tpu.vector_load_idx %arg8[%add3A_26, %select_n3A] : memref<32x200xi32, #tpu.memory_space<vmem>>[vector<16xi32>, vector<16xi32>], vector<16xi32>,
      %gather3A_356 = tpu.vector_load_idx %arg5[%gather3A_355] : memref<100000xf32, #tpu.memory_space<vmem>>[vector<16xi32>], vector<16xf32>,
      %add3A_357 = arith.addf %scan3A_344, %gather3A_356 : vector<16xf32>
      %gather3A_358 = tpu.vector_load_idx %arg6[%add3A_22, %select_n3A] : memref<32x200xi32, #tpu.memory_space<vmem>>[vector<16xi32>, vector<16xi32>], vector<16xi32>,
      %gather3A_359 = tpu.vector_load_idx %arg5[%gather3A_358] : memref<100000xf32, #tpu.memory_space<vmem>>[vector<16xi32>], vector<16xf32>,
      %add3A_360 = arith.addf %scan3A_345, %gather3A_359 : vector<16xf32>
      %gather3A_361 = tpu.vector_load_idx %arg6[%add3A_26, %select_n3A] : memref<32x200xi32, #tpu.memory_space<vmem>>[vector<16xi32>, vector<16xi32>], vector<16xi32>,
      %gather3A_362 = tpu.vector_load_idx %arg5[%gather3A_361] : memref<100000xf32, #tpu.memory_space<vmem>>[vector<16xi32>], vector<16xf32>,
      %add3A_363 = arith.addf %scan3A_346, %gather3A_362 : vector<16xf32>
      scf.yield %add3A_354, %add3A_357, %add3A_360, %add3A_363 : vector<16xf32>, vector<16xf32>, vector<16xf32>, vector<16xf32>
    }
    %scan3A_213 = arith.constant 200 : i32
    %swap3A_214 = arith.constant 256 : index
    %swap3A_215 = tpu.vector_load %arg9[%swap3A_214] {strides = array<i32>} : memref<512xf32, #tpu.memory_space<vmem>>, vector<16xf32>,
    tpu.vector_store %arg9[%swap3A_214], %scan3A_212#0 {strides = array<i32>} : memref<512xf32, #tpu.memory_space<vmem>>, vector<16xf32>,
    %swap3A_216 = arith.constant 272 : index
    %swap3A_217 = tpu.vector_load %arg9[%swap3A_216] {strides = array<i32>} : memref<512xf32, #tpu.memory_space<vmem>>, vector<16xf32>,
    tpu.vector_store %arg9[%swap3A_216], %scan3A_212#1 {strides = array<i32>} : memref<512xf32, #tpu.memory_space<vmem>>, vector<16xf32>,
    %swap3A_218 = arith.constant 288 : index
    %swap3A_219 = tpu.vector_load %arg9[%swap3A_218] {strides = array<i32>} : memref<512xf32, #tpu.memory_space<vmem>>, vector<16xf32>,
    tpu.vector_store %arg9[%swap3A_218], %scan3A_212#2 {strides = array<i32>} : memref<512xf32, #tpu.memory_space<vmem>>, vector<16xf32>,
    %swap3A_220 = arith.constant 304 : index
    %swap3A_221 = tpu.vector_load %arg9[%swap3A_220] {strides = array<i32>} : memref<512xf32, #tpu.memory_space<vmem>>, vector<16xf32>,
    tpu.vector_store %arg9[%swap3A_220], %scan3A_212#3 {strides = array<i32>} : memref<512xf32, #tpu.memory_space<vmem>>, vector<16xf32>,
    %add3A_222 = arith.constant 352 : i32
    %add3A_223 = arith.addi %mul3A_2, %add3A_222 : i32
    %dma_start3A_224 = arith.constant 0 : i32
    %dma_start3A_225 = tpu.memref_slice %arg3[%add3A_223, %dma_start3A_224] : memref<16384x200xi32, #tpu.memory_space<hbm>> -> memref<32x200xi32, #tpu.memory_space<hbm>>
    %dma_start3A_226 = arith.constant 0 : i32
    %dma_start3A_227 = tpu.memref_slice %arg3[%add3A_223, %dma_start3A_226] : memref<16384x200xi32, #tpu.memory_space<hbm>> -> memref<32x200xi32, #tpu.memory_space<hbm>>
    tpu.enqueue_dma source(%dma_start3A_227 : memref<32x200xi32, #tpu.memory_space<hbm>>) target(%arg8 : memref<32x200xi32, #tpu.memory_space<vmem>>) target_semaphore(%arg13 : memref<!tpu.dma_semaphore, #tpu.memory_space<semaphore_mem>>)
    %add3A_228 = arith.constant 384 : i32
    %add3A_229 = arith.addi %mul3A_2, %add3A_228 : i32
    %dma_start3A_230 = arith.constant 0 : i32
    %dma_start3A_231 = tpu.memref_slice %arg3[%add3A_229, %dma_start3A_230] : memref<16384x200xi32, #tpu.memory_space<hbm>> -> memref<32x200xi32, #tpu.memory_space<hbm>>
    %dma_start3A_232 = arith.constant 0 : i32
    %dma_start3A_233 = tpu.memref_slice %arg3[%add3A_229, %dma_start3A_232] : memref<16384x200xi32, #tpu.memory_space<hbm>> -> memref<32x200xi32, #tpu.memory_space<hbm>>
    tpu.enqueue_dma source(%dma_start3A_233 : memref<32x200xi32, #tpu.memory_space<hbm>>) target(%arg6 : memref<32x200xi32, #tpu.memory_space<vmem>>) target_semaphore(%arg11 : memref<!tpu.dma_semaphore, #tpu.memory_space<semaphore_mem>>)
    %dma_wait3A_234 = arith.constant 0 : i32
    %dma_wait3A_235 = tpu.memref_slice %arg3[%add3A_187, %dma_wait3A_234] : memref<16384x200xi32, #tpu.memory_space<hbm>> -> memref<32x200xi32, #tpu.memory_space<hbm>>
    %dma_wait3A_236 = arith.constant 0 : i32
    %dma_wait3A_237 = tpu.memref_slice %arg3[%add3A_187, %dma_wait3A_236] : memref<16384x200xi32, #tpu.memory_space<hbm>> -> memref<32x200xi32, #tpu.memory_space<hbm>>
    tpu.wait_dma2 semaphore(%arg12 : memref<!tpu.dma_semaphore, #tpu.memory_space<semaphore_mem>>) src(%dma_wait3A_237 : memref<32x200xi32, #tpu.memory_space<hbm>>) dst(%arg7 : memref<32x200xi32, #tpu.memory_space<vmem>>)
    %dma_wait3A_238 = arith.constant 0 : i32
    %dma_wait3A_239 = tpu.memref_slice %arg3[%add3A_223, %dma_wait3A_238] : memref<16384x200xi32, #tpu.memory_space<hbm>> -> memref<32x200xi32, #tpu.memory_space<hbm>>
    %dma_wait3A_240 = arith.constant 0 : i32
    %dma_wait3A_241 = tpu.memref_slice %arg3[%add3A_223, %dma_wait3A_240] : memref<16384x200xi32, #tpu.memory_space<hbm>> -> memref<32x200xi32, #tpu.memory_space<hbm>>
    tpu.wait_dma2 semaphore(%arg13 : memref<!tpu.dma_semaphore, #tpu.memory_space<semaphore_mem>>) src(%dma_wait3A_241 : memref<32x200xi32, #tpu.memory_space<hbm>>) dst(%arg8 : memref<32x200xi32, #tpu.memory_space<vmem>>)
    %broadcast_in_dim3A_242 = arith.constant 0.000000e+00 : f32
    %broadcast_in_dim3A_243 = vector.broadcast %broadcast_in_dim3A_242 : f32 to vector<16xf32>
    %broadcast_in_dim3A_244 = arith.constant 0.000000e+00 : f32
    %broadcast_in_dim3A_245 = vector.broadcast %broadcast_in_dim3A_244 : f32 to vector<16xf32>
    %broadcast_in_dim3A_246 = arith.constant 0.000000e+00 : f32
    %broadcast_in_dim3A_247 = vector.broadcast %broadcast_in_dim3A_246 : f32 to vector<16xf32>
    %broadcast_in_dim3A_248 = arith.constant 0.000000e+00 : f32
    %broadcast_in_dim3A_249 = vector.broadcast %broadcast_in_dim3A_248 : f32 to vector<16xf32>
    %scan3A_250 = arith.constant 0 : i32
    %scan3A_251 = arith.constant 200 : i32
    %scan3A_252 = arith.addi %scan3A_250, %scan3A_251 : i32
    %scan3A_253 = arith.constant 1 : i32
    %scan3A_254:4 = scf.for %scan3A_342 = %scan3A_250 to %scan3A_252 step %scan3A_253 iter_args(%scan3A_343 = %broadcast_in_dim3A_243, %scan3A_344 = %broadcast_in_dim3A_245, %scan3A_345 = %broadcast_in_dim3A_247, %scan3A_346 = %broadcast_in_dim3A_249) -> (vector<16xf32>, vector<16xf32>, vector<16xf32>, vector<16xf32>)  : i32 {
      %add3A_347 = vector.broadcast %scan3A_342 : i32 to vector<16xi32>
      %add3A_348 = arith.addi %iota3A_27, %add3A_347 : vector<16xi32>
      %ge3A = arith.constant 200 : i32
      %ge3A_349 = vector.broadcast %ge3A : i32 to vector<16xi32>
      %ge3A_350 = arith.cmpi sge, %add3A_348, %ge3A_349 : vector<16xi32>
      %sub3A = arith.constant 200 : i32
      %sub3A_351 = vector.broadcast %sub3A : i32 to vector<16xi32>
      %sub3A_352 = arith.subi %add3A_348, %sub3A_351 : vector<16xi32>
      %select_n3A = arith.select %ge3A_350, %sub3A_352, %add3A_348 : vector<16xi1>, vector<16xi32>
      %gather3A = tpu.vector_load_idx %arg7[%add3A_22, %select_n3A] : memref<32x200xi32, #tpu.memory_space<vmem>>[vector<16xi32>, vector<16xi32>], vector<16xi32>,
      %gather3A_353 = tpu.vector_load_idx %arg5[%gather3A] : memref<100000xf32, #tpu.memory_space<vmem>>[vector<16xi32>], vector<16xf32>,
      %add3A_354 = arith.addf %scan3A_343, %gather3A_353 : vector<16xf32>
      %gather3A_355 = tpu.vector_load_idx %arg7[%add3A_26, %select_n3A] : memref<32x200xi32, #tpu.memory_space<vmem>>[vector<16xi32>, vector<16xi32>], vector<16xi32>,
      %gather3A_356 = tpu.vector_load_idx %arg5[%gather3A_355] : memref<100000xf32, #tpu.memory_space<vmem>>[vector<16xi32>], vector<16xf32>,
      %add3A_357 = arith.addf %scan3A_344, %gather3A_356 : vector<16xf32>
      %gather3A_358 = tpu.vector_load_idx %arg8[%add3A_22, %select_n3A] : memref<32x200xi32, #tpu.memory_space<vmem>>[vector<16xi32>, vector<16xi32>], vector<16xi32>,
      %gather3A_359 = tpu.vector_load_idx %arg5[%gather3A_358] : memref<100000xf32, #tpu.memory_space<vmem>>[vector<16xi32>], vector<16xf32>,
      %add3A_360 = arith.addf %scan3A_345, %gather3A_359 : vector<16xf32>
      %gather3A_361 = tpu.vector_load_idx %arg8[%add3A_26, %select_n3A] : memref<32x200xi32, #tpu.memory_space<vmem>>[vector<16xi32>, vector<16xi32>], vector<16xi32>,
      %gather3A_362 = tpu.vector_load_idx %arg5[%gather3A_361] : memref<100000xf32, #tpu.memory_space<vmem>>[vector<16xi32>], vector<16xf32>,
      %add3A_363 = arith.addf %scan3A_346, %gather3A_362 : vector<16xf32>
      scf.yield %add3A_354, %add3A_357, %add3A_360, %add3A_363 : vector<16xf32>, vector<16xf32>, vector<16xf32>, vector<16xf32>
    }
    %scan3A_255 = arith.constant 200 : i32
    %swap3A_256 = arith.constant 320 : index
    %swap3A_257 = tpu.vector_load %arg9[%swap3A_256] {strides = array<i32>} : memref<512xf32, #tpu.memory_space<vmem>>, vector<16xf32>,
    tpu.vector_store %arg9[%swap3A_256], %scan3A_254#0 {strides = array<i32>} : memref<512xf32, #tpu.memory_space<vmem>>, vector<16xf32>,
    %swap3A_258 = arith.constant 336 : index
    %swap3A_259 = tpu.vector_load %arg9[%swap3A_258] {strides = array<i32>} : memref<512xf32, #tpu.memory_space<vmem>>, vector<16xf32>,
    tpu.vector_store %arg9[%swap3A_258], %scan3A_254#1 {strides = array<i32>} : memref<512xf32, #tpu.memory_space<vmem>>, vector<16xf32>,
    %swap3A_260 = arith.constant 352 : index
    %swap3A_261 = tpu.vector_load %arg9[%swap3A_260] {strides = array<i32>} : memref<512xf32, #tpu.memory_space<vmem>>, vector<16xf32>,
    tpu.vector_store %arg9[%swap3A_260], %scan3A_254#2 {strides = array<i32>} : memref<512xf32, #tpu.memory_space<vmem>>, vector<16xf32>,
    %swap3A_262 = arith.constant 368 : index
    %swap3A_263 = tpu.vector_load %arg9[%swap3A_262] {strides = array<i32>} : memref<512xf32, #tpu.memory_space<vmem>>, vector<16xf32>,
    tpu.vector_store %arg9[%swap3A_262], %scan3A_254#3 {strides = array<i32>} : memref<512xf32, #tpu.memory_space<vmem>>, vector<16xf32>,
    %add3A_264 = arith.constant 416 : i32
    %add3A_265 = arith.addi %mul3A_2, %add3A_264 : i32
    %dma_start3A_266 = arith.constant 0 : i32
    %dma_start3A_267 = tpu.memref_slice %arg3[%add3A_265, %dma_start3A_266] : memref<16384x200xi32, #tpu.memory_space<hbm>> -> memref<32x200xi32, #tpu.memory_space<hbm>>
    %dma_start3A_268 = arith.constant 0 : i32
    %dma_start3A_269 = tpu.memref_slice %arg3[%add3A_265, %dma_start3A_268] : memref<16384x200xi32, #tpu.memory_space<hbm>> -> memref<32x200xi32, #tpu.memory_space<hbm>>
    tpu.enqueue_dma source(%dma_start3A_269 : memref<32x200xi32, #tpu.memory_space<hbm>>) target(%arg7 : memref<32x200xi32, #tpu.memory_space<vmem>>) target_semaphore(%arg12 : memref<!tpu.dma_semaphore, #tpu.memory_space<semaphore_mem>>)
    %add3A_270 = arith.constant 448 : i32
    %add3A_271 = arith.addi %mul3A_2, %add3A_270 : i32
    %dma_start3A_272 = arith.constant 0 : i32
    %dma_start3A_273 = tpu.memref_slice %arg3[%add3A_271, %dma_start3A_272] : memref<16384x200xi32, #tpu.memory_space<hbm>> -> memref<32x200xi32, #tpu.memory_space<hbm>>
    %dma_start3A_274 = arith.constant 0 : i32
    %dma_start3A_275 = tpu.memref_slice %arg3[%add3A_271, %dma_start3A_274] : memref<16384x200xi32, #tpu.memory_space<hbm>> -> memref<32x200xi32, #tpu.memory_space<hbm>>
    tpu.enqueue_dma source(%dma_start3A_275 : memref<32x200xi32, #tpu.memory_space<hbm>>) target(%arg8 : memref<32x200xi32, #tpu.memory_space<vmem>>) target_semaphore(%arg13 : memref<!tpu.dma_semaphore, #tpu.memory_space<semaphore_mem>>)
    %dma_wait3A_276 = arith.constant 0 : i32
    %dma_wait3A_277 = tpu.memref_slice %arg3[%add3A_229, %dma_wait3A_276] : memref<16384x200xi32, #tpu.memory_space<hbm>> -> memref<32x200xi32, #tpu.memory_space<hbm>>
    %dma_wait3A_278 = arith.constant 0 : i32
    %dma_wait3A_279 = tpu.memref_slice %arg3[%add3A_229, %dma_wait3A_278] : memref<16384x200xi32, #tpu.memory_space<hbm>> -> memref<32x200xi32, #tpu.memory_space<hbm>>
    tpu.wait_dma2 semaphore(%arg11 : memref<!tpu.dma_semaphore, #tpu.memory_space<semaphore_mem>>) src(%dma_wait3A_279 : memref<32x200xi32, #tpu.memory_space<hbm>>) dst(%arg6 : memref<32x200xi32, #tpu.memory_space<vmem>>)
    %dma_wait3A_280 = arith.constant 0 : i32
    %dma_wait3A_281 = tpu.memref_slice %arg3[%add3A_265, %dma_wait3A_280] : memref<16384x200xi32, #tpu.memory_space<hbm>> -> memref<32x200xi32, #tpu.memory_space<hbm>>
    %dma_wait3A_282 = arith.constant 0 : i32
    %dma_wait3A_283 = tpu.memref_slice %arg3[%add3A_265, %dma_wait3A_282] : memref<16384x200xi32, #tpu.memory_space<hbm>> -> memref<32x200xi32, #tpu.memory_space<hbm>>
    tpu.wait_dma2 semaphore(%arg12 : memref<!tpu.dma_semaphore, #tpu.memory_space<semaphore_mem>>) src(%dma_wait3A_283 : memref<32x200xi32, #tpu.memory_space<hbm>>) dst(%arg7 : memref<32x200xi32, #tpu.memory_space<vmem>>)
    %broadcast_in_dim3A_284 = arith.constant 0.000000e+00 : f32
    %broadcast_in_dim3A_285 = vector.broadcast %broadcast_in_dim3A_284 : f32 to vector<16xf32>
    %broadcast_in_dim3A_286 = arith.constant 0.000000e+00 : f32
    %broadcast_in_dim3A_287 = vector.broadcast %broadcast_in_dim3A_286 : f32 to vector<16xf32>
    %broadcast_in_dim3A_288 = arith.constant 0.000000e+00 : f32
    %broadcast_in_dim3A_289 = vector.broadcast %broadcast_in_dim3A_288 : f32 to vector<16xf32>
    %broadcast_in_dim3A_290 = arith.constant 0.000000e+00 : f32
    %broadcast_in_dim3A_291 = vector.broadcast %broadcast_in_dim3A_290 : f32 to vector<16xf32>
    %scan3A_292 = arith.constant 0 : i32
    %scan3A_293 = arith.constant 200 : i32
    %scan3A_294 = arith.addi %scan3A_292, %scan3A_293 : i32
    %scan3A_295 = arith.constant 1 : i32
    %scan3A_296:4 = scf.for %scan3A_342 = %scan3A_292 to %scan3A_294 step %scan3A_295 iter_args(%scan3A_343 = %broadcast_in_dim3A_285, %scan3A_344 = %broadcast_in_dim3A_287, %scan3A_345 = %broadcast_in_dim3A_289, %scan3A_346 = %broadcast_in_dim3A_291) -> (vector<16xf32>, vector<16xf32>, vector<16xf32>, vector<16xf32>)  : i32 {
      %add3A_347 = vector.broadcast %scan3A_342 : i32 to vector<16xi32>
      %add3A_348 = arith.addi %iota3A_27, %add3A_347 : vector<16xi32>
      %ge3A = arith.constant 200 : i32
      %ge3A_349 = vector.broadcast %ge3A : i32 to vector<16xi32>
      %ge3A_350 = arith.cmpi sge, %add3A_348, %ge3A_349 : vector<16xi32>
      %sub3A = arith.constant 200 : i32
      %sub3A_351 = vector.broadcast %sub3A : i32 to vector<16xi32>
      %sub3A_352 = arith.subi %add3A_348, %sub3A_351 : vector<16xi32>
      %select_n3A = arith.select %ge3A_350, %sub3A_352, %add3A_348 : vector<16xi1>, vector<16xi32>
      %gather3A = tpu.vector_load_idx %arg6[%add3A_22, %select_n3A] : memref<32x200xi32, #tpu.memory_space<vmem>>[vector<16xi32>, vector<16xi32>], vector<16xi32>,
      %gather3A_353 = tpu.vector_load_idx %arg5[%gather3A] : memref<100000xf32, #tpu.memory_space<vmem>>[vector<16xi32>], vector<16xf32>,
      %add3A_354 = arith.addf %scan3A_343, %gather3A_353 : vector<16xf32>
      %gather3A_355 = tpu.vector_load_idx %arg6[%add3A_26, %select_n3A] : memref<32x200xi32, #tpu.memory_space<vmem>>[vector<16xi32>, vector<16xi32>], vector<16xi32>,
      %gather3A_356 = tpu.vector_load_idx %arg5[%gather3A_355] : memref<100000xf32, #tpu.memory_space<vmem>>[vector<16xi32>], vector<16xf32>,
      %add3A_357 = arith.addf %scan3A_344, %gather3A_356 : vector<16xf32>
      %gather3A_358 = tpu.vector_load_idx %arg7[%add3A_22, %select_n3A] : memref<32x200xi32, #tpu.memory_space<vmem>>[vector<16xi32>, vector<16xi32>], vector<16xi32>,
      %gather3A_359 = tpu.vector_load_idx %arg5[%gather3A_358] : memref<100000xf32, #tpu.memory_space<vmem>>[vector<16xi32>], vector<16xf32>,
      %add3A_360 = arith.addf %scan3A_345, %gather3A_359 : vector<16xf32>
      %gather3A_361 = tpu.vector_load_idx %arg7[%add3A_26, %select_n3A] : memref<32x200xi32, #tpu.memory_space<vmem>>[vector<16xi32>, vector<16xi32>], vector<16xi32>,
      %gather3A_362 = tpu.vector_load_idx %arg5[%gather3A_361] : memref<100000xf32, #tpu.memory_space<vmem>>[vector<16xi32>], vector<16xf32>,
      %add3A_363 = arith.addf %scan3A_346, %gather3A_362 : vector<16xf32>
      scf.yield %add3A_354, %add3A_357, %add3A_360, %add3A_363 : vector<16xf32>, vector<16xf32>, vector<16xf32>, vector<16xf32>
    }
    %scan3A_297 = arith.constant 200 : i32
    %swap3A_298 = arith.constant 384 : index
    %swap3A_299 = tpu.vector_load %arg9[%swap3A_298] {strides = array<i32>} : memref<512xf32, #tpu.memory_space<vmem>>, vector<16xf32>,
    tpu.vector_store %arg9[%swap3A_298], %scan3A_296#0 {strides = array<i32>} : memref<512xf32, #tpu.memory_space<vmem>>, vector<16xf32>,
    %swap3A_300 = arith.constant 400 : index
    %swap3A_301 = tpu.vector_load %arg9[%swap3A_300] {strides = array<i32>} : memref<512xf32, #tpu.memory_space<vmem>>, vector<16xf32>,
    tpu.vector_store %arg9[%swap3A_300], %scan3A_296#1 {strides = array<i32>} : memref<512xf32, #tpu.memory_space<vmem>>, vector<16xf32>,
    %swap3A_302 = arith.constant 416 : index
    %swap3A_303 = tpu.vector_load %arg9[%swap3A_302] {strides = array<i32>} : memref<512xf32, #tpu.memory_space<vmem>>, vector<16xf32>,
    tpu.vector_store %arg9[%swap3A_302], %scan3A_296#2 {strides = array<i32>} : memref<512xf32, #tpu.memory_space<vmem>>, vector<16xf32>,
    %swap3A_304 = arith.constant 432 : index
    %swap3A_305 = tpu.vector_load %arg9[%swap3A_304] {strides = array<i32>} : memref<512xf32, #tpu.memory_space<vmem>>, vector<16xf32>,
    tpu.vector_store %arg9[%swap3A_304], %scan3A_296#3 {strides = array<i32>} : memref<512xf32, #tpu.memory_space<vmem>>, vector<16xf32>,
    %add3A_306 = arith.constant 480 : i32
    %add3A_307 = arith.addi %mul3A_2, %add3A_306 : i32
    %dma_start3A_308 = arith.constant 0 : i32
    %dma_start3A_309 = tpu.memref_slice %arg3[%add3A_307, %dma_start3A_308] : memref<16384x200xi32, #tpu.memory_space<hbm>> -> memref<32x200xi32, #tpu.memory_space<hbm>>
    %dma_start3A_310 = arith.constant 0 : i32
    %dma_start3A_311 = tpu.memref_slice %arg3[%add3A_307, %dma_start3A_310] : memref<16384x200xi32, #tpu.memory_space<hbm>> -> memref<32x200xi32, #tpu.memory_space<hbm>>
    tpu.enqueue_dma source(%dma_start3A_311 : memref<32x200xi32, #tpu.memory_space<hbm>>) target(%arg6 : memref<32x200xi32, #tpu.memory_space<vmem>>) target_semaphore(%arg11 : memref<!tpu.dma_semaphore, #tpu.memory_space<semaphore_mem>>)
    %dma_wait3A_312 = arith.constant 0 : i32
    %dma_wait3A_313 = tpu.memref_slice %arg3[%add3A_271, %dma_wait3A_312] : memref<16384x200xi32, #tpu.memory_space<hbm>> -> memref<32x200xi32, #tpu.memory_space<hbm>>
    %dma_wait3A_314 = arith.constant 0 : i32
    %dma_wait3A_315 = tpu.memref_slice %arg3[%add3A_271, %dma_wait3A_314] : memref<16384x200xi32, #tpu.memory_space<hbm>> -> memref<32x200xi32, #tpu.memory_space<hbm>>
    tpu.wait_dma2 semaphore(%arg13 : memref<!tpu.dma_semaphore, #tpu.memory_space<semaphore_mem>>) src(%dma_wait3A_315 : memref<32x200xi32, #tpu.memory_space<hbm>>) dst(%arg8 : memref<32x200xi32, #tpu.memory_space<vmem>>)
    %dma_wait3A_316 = arith.constant 0 : i32
    %dma_wait3A_317 = tpu.memref_slice %arg3[%add3A_307, %dma_wait3A_316] : memref<16384x200xi32, #tpu.memory_space<hbm>> -> memref<32x200xi32, #tpu.memory_space<hbm>>
    %dma_wait3A_318 = arith.constant 0 : i32
    %dma_wait3A_319 = tpu.memref_slice %arg3[%add3A_307, %dma_wait3A_318] : memref<16384x200xi32, #tpu.memory_space<hbm>> -> memref<32x200xi32, #tpu.memory_space<hbm>>
    tpu.wait_dma2 semaphore(%arg11 : memref<!tpu.dma_semaphore, #tpu.memory_space<semaphore_mem>>) src(%dma_wait3A_319 : memref<32x200xi32, #tpu.memory_space<hbm>>) dst(%arg6 : memref<32x200xi32, #tpu.memory_space<vmem>>)
    %broadcast_in_dim3A_320 = arith.constant 0.000000e+00 : f32
    %broadcast_in_dim3A_321 = vector.broadcast %broadcast_in_dim3A_320 : f32 to vector<16xf32>
    %broadcast_in_dim3A_322 = arith.constant 0.000000e+00 : f32
    %broadcast_in_dim3A_323 = vector.broadcast %broadcast_in_dim3A_322 : f32 to vector<16xf32>
    %broadcast_in_dim3A_324 = arith.constant 0.000000e+00 : f32
    %broadcast_in_dim3A_325 = vector.broadcast %broadcast_in_dim3A_324 : f32 to vector<16xf32>
    %broadcast_in_dim3A_326 = arith.constant 0.000000e+00 : f32
    %broadcast_in_dim3A_327 = vector.broadcast %broadcast_in_dim3A_326 : f32 to vector<16xf32>
    %scan3A_328 = arith.constant 0 : i32
    %scan3A_329 = arith.constant 200 : i32
    %scan3A_330 = arith.addi %scan3A_328, %scan3A_329 : i32
    %scan3A_331 = arith.constant 1 : i32
    %scan3A_332:4 = scf.for %scan3A_342 = %scan3A_328 to %scan3A_330 step %scan3A_331 iter_args(%scan3A_343 = %broadcast_in_dim3A_321, %scan3A_344 = %broadcast_in_dim3A_323, %scan3A_345 = %broadcast_in_dim3A_325, %scan3A_346 = %broadcast_in_dim3A_327) -> (vector<16xf32>, vector<16xf32>, vector<16xf32>, vector<16xf32>)  : i32 {
      %add3A_347 = vector.broadcast %scan3A_342 : i32 to vector<16xi32>
      %add3A_348 = arith.addi %iota3A_27, %add3A_347 : vector<16xi32>
      %ge3A = arith.constant 200 : i32
      %ge3A_349 = vector.broadcast %ge3A : i32 to vector<16xi32>
      %ge3A_350 = arith.cmpi sge, %add3A_348, %ge3A_349 : vector<16xi32>
      %sub3A = arith.constant 200 : i32
      %sub3A_351 = vector.broadcast %sub3A : i32 to vector<16xi32>
      %sub3A_352 = arith.subi %add3A_348, %sub3A_351 : vector<16xi32>
      %select_n3A = arith.select %ge3A_350, %sub3A_352, %add3A_348 : vector<16xi1>, vector<16xi32>
      %gather3A = tpu.vector_load_idx %arg8[%add3A_22, %select_n3A] : memref<32x200xi32, #tpu.memory_space<vmem>>[vector<16xi32>, vector<16xi32>], vector<16xi32>,
      %gather3A_353 = tpu.vector_load_idx %arg5[%gather3A] : memref<100000xf32, #tpu.memory_space<vmem>>[vector<16xi32>], vector<16xf32>,
      %add3A_354 = arith.addf %scan3A_343, %gather3A_353 : vector<16xf32>
      %gather3A_355 = tpu.vector_load_idx %arg8[%add3A_26, %select_n3A] : memref<32x200xi32, #tpu.memory_space<vmem>>[vector<16xi32>, vector<16xi32>], vector<16xi32>,
      %gather3A_356 = tpu.vector_load_idx %arg5[%gather3A_355] : memref<100000xf32, #tpu.memory_space<vmem>>[vector<16xi32>], vector<16xf32>,
      %add3A_357 = arith.addf %scan3A_344, %gather3A_356 : vector<16xf32>
      %gather3A_358 = tpu.vector_load_idx %arg6[%add3A_22, %select_n3A] : memref<32x200xi32, #tpu.memory_space<vmem>>[vector<16xi32>, vector<16xi32>], vector<16xi32>,
      %gather3A_359 = tpu.vector_load_idx %arg5[%gather3A_358] : memref<100000xf32, #tpu.memory_space<vmem>>[vector<16xi32>], vector<16xf32>,
      %add3A_360 = arith.addf %scan3A_345, %gather3A_359 : vector<16xf32>
      %gather3A_361 = tpu.vector_load_idx %arg6[%add3A_26, %select_n3A] : memref<32x200xi32, #tpu.memory_space<vmem>>[vector<16xi32>, vector<16xi32>], vector<16xi32>,
      %gather3A_362 = tpu.vector_load_idx %arg5[%gather3A_361] : memref<100000xf32, #tpu.memory_space<vmem>>[vector<16xi32>], vector<16xf32>,
      %add3A_363 = arith.addf %scan3A_346, %gather3A_362 : vector<16xf32>
      scf.yield %add3A_354, %add3A_357, %add3A_360, %add3A_363 : vector<16xf32>, vector<16xf32>, vector<16xf32>, vector<16xf32>
    }
    %scan3A_333 = arith.constant 200 : i32
    %swap3A_334 = arith.constant 448 : index
    %swap3A_335 = tpu.vector_load %arg9[%swap3A_334] {strides = array<i32>} : memref<512xf32, #tpu.memory_space<vmem>>, vector<16xf32>,
    tpu.vector_store %arg9[%swap3A_334], %scan3A_332#0 {strides = array<i32>} : memref<512xf32, #tpu.memory_space<vmem>>, vector<16xf32>,
    %swap3A_336 = arith.constant 464 : index
    %swap3A_337 = tpu.vector_load %arg9[%swap3A_336] {strides = array<i32>} : memref<512xf32, #tpu.memory_space<vmem>>, vector<16xf32>,
    tpu.vector_store %arg9[%swap3A_336], %scan3A_332#1 {strides = array<i32>} : memref<512xf32, #tpu.memory_space<vmem>>, vector<16xf32>,
    %swap3A_338 = arith.constant 480 : index
    %swap3A_339 = tpu.vector_load %arg9[%swap3A_338] {strides = array<i32>} : memref<512xf32, #tpu.memory_space<vmem>>, vector<16xf32>,
    tpu.vector_store %arg9[%swap3A_338], %scan3A_332#2 {strides = array<i32>} : memref<512xf32, #tpu.memory_space<vmem>>, vector<16xf32>,
    %swap3A_340 = arith.constant 496 : index
    %swap3A_341 = tpu.vector_load %arg9[%swap3A_340] {strides = array<i32>} : memref<512xf32, #tpu.memory_space<vmem>>, vector<16xf32>,
    tpu.vector_store %arg9[%swap3A_340], %scan3A_332#3 {strides = array<i32>} : memref<512xf32, #tpu.memory_space<vmem>>, vector<16xf32>,
    "tpu.region"() ({
      %run_scoped3A = tpu.sem_alloc : memref<!tpu.dma_semaphore, #tpu.memory_space<semaphore_mem>>
      %dma_start3A_342 = tpu.memref_slice %arg4[%mul3A_2] : memref<16384xf32, #tpu.memory_space<hbm>> -> memref<512xf32, #tpu.memory_space<hbm>>
      %dma_start3A_343 = tpu.memref_slice %arg4[%mul3A_2] : memref<16384xf32, #tpu.memory_space<hbm>> -> memref<512xf32, #tpu.memory_space<hbm>>
      tpu.enqueue_dma source(%arg9 : memref<512xf32, #tpu.memory_space<vmem>>) target(%dma_start3A_343 : memref<512xf32, #tpu.memory_space<hbm>>) target_semaphore(%run_scoped3A : memref<!tpu.dma_semaphore, #tpu.memory_space<semaphore_mem>>)
      %dma_wait3A_344 = tpu.memref_slice %arg4[%mul3A_2] : memref<16384xf32, #tpu.memory_space<hbm>> -> memref<512xf32, #tpu.memory_space<hbm>>
      %dma_wait3A_345 = tpu.memref_slice %arg4[%mul3A_2] : memref<16384xf32, #tpu.memory_space<hbm>> -> memref<512xf32, #tpu.memory_space<hbm>>
      tpu.wait_dma2 semaphore(%run_scoped3A : memref<!tpu.dma_semaphore, #tpu.memory_space<semaphore_mem>>) src(%arg9 : memref<512xf32, #tpu.memory_space<vmem>>) dst(%dma_wait3A_345 : memref<512xf32, #tpu.memory_space<hbm>>)
      tpu.yield
    }) : () -> ()
    return
  }
}

module attributes {stable_mosaic.version = 14 : i64} {
  func.func @_tc_tail(%arg0: memref<128x128xf32, #tpu.memory_space<vmem>>, %arg1: memref<128x128xi32, #tpu.memory_space<vmem>>, %arg2: memref<1x1xf32, #tpu.memory_space<smem>>, %arg3: memref<782x128xf32, #tpu.memory_space<vmem>>, %arg4: memref<128x128xf32, #tpu.memory_space<vmem>>, %arg5: memref<1x1xf32, #tpu.memory_space<smem>>) attributes {dimension_semantics = [], scalar_prefetch = 0 : i64, scratch_operands = 0 : i64, tpu.core_type = #tpu.core_type<tc>} {
    %get3A = arith.constant 0 : index
    %get3A_0 = arith.constant 0 : index
    %get3A_1 = memref.load %arg2[%get3A, %get3A_0] : memref<1x1xf32, #tpu.memory_space<smem>>
    %exp3A = math.exp %get3A_1 : f32
    %get3A_2 = arith.constant 0 : index
    %get3A_3 = arith.constant 0 : index
    %get3A_4 = vector.load %arg0[%get3A_2, %get3A_3] : memref<128x128xf32, #tpu.memory_space<vmem>>, vector<128x128xf32>
    %get3A_5 = arith.constant 0 : index
    %get3A_6 = arith.constant 0 : index
    %get3A_7 = vector.load %arg1[%get3A_5, %get3A_6] : memref<128x128xi32, #tpu.memory_space<vmem>>, vector<128x128xi32>
    %convert_element_type3A = arith.sitofp %get3A_7 : vector<128x128xi32> to vector<128x128xf32>
    %mul3A = arith.constant 2.000000e+00 : f32
    %mul3A_8 = vector.broadcast %mul3A : f32 to vector<128x128xf32>
    %mul3A_9 = arith.mulf %mul3A_8, %convert_element_type3A : vector<128x128xf32>
    %sub3A = arith.constant 4.000000e+00 : f32
    %sub3A_10 = vector.broadcast %sub3A : f32 to vector<128x128xf32>
    %sub3A_11 = arith.subf %mul3A_9, %sub3A_10 : vector<128x128xf32>
    %eq3A = arith.constant 4 : i32
    %eq3A_12 = vector.broadcast %eq3A : i32 to vector<128x128xi32>
    %eq3A_13 = arith.cmpi eq, %get3A_7, %eq3A_12 : vector<128x128xi32>
    %mul3A_14 = arith.constant 2.000000e+00 : f32
    %mul3A_15 = vector.broadcast %mul3A_14 : f32 to vector<128x128xf32>
    %mul3A_16 = arith.mulf %mul3A_15, %convert_element_type3A : vector<128x128xf32>
    %sub3A_17 = arith.constant 2.000000e+00 : f32
    %sub3A_18 = vector.broadcast %sub3A_17 : f32 to vector<128x128xf32>
    %sub3A_19 = arith.subf %mul3A_16, %sub3A_18 : vector<128x128xf32>
    %jit3A = arith.constant 1.000000e+02 : f32
    %broadcast_in_dim3A = vector.broadcast %jit3A : f32 to vector<128x128xf32>
    %select_n3A = arith.select %eq3A_13, %broadcast_in_dim3A, %sub3A_19 : vector<128x128xi1>, vector<128x128xf32>
    %sub3A_20 = arith.subf %get3A_4, %sub3A_11 : vector<128x128xf32>
    %div3A = vector.broadcast %exp3A : f32 to vector<128x128xf32>
    %div3A_21 = arith.divf %sub3A_20, %div3A : vector<128x128xf32>
    %sub3A_22 = arith.subf %get3A_4, %select_n3A : vector<128x128xf32>
    %div3A_23 = vector.broadcast %exp3A : f32 to vector<128x128xf32>
    %div3A_24 = arith.divf %sub3A_22, %div3A_23 : vector<128x128xf32>
    %logistic3A = arith.negf %div3A_21 : vector<128x128xf32>
    %logistic3A_25 = math.exp %logistic3A : vector<128x128xf32>
    %logistic3A_26 = arith.constant 1.000000e+00 : f32
    %logistic3A_27 = vector.broadcast %logistic3A_26 : f32 to vector<128x128xf32>
    %logistic3A_28 = arith.addf %logistic3A_27, %logistic3A_25 : vector<128x128xf32>
    %logistic3A_29 = arith.divf %logistic3A_27, %logistic3A_28 : vector<128x128xf32>
    %logistic3A_30 = arith.negf %div3A_24 : vector<128x128xf32>
    %logistic3A_31 = math.exp %logistic3A_30 : vector<128x128xf32>
    %logistic3A_32 = arith.constant 1.000000e+00 : f32
    %logistic3A_33 = vector.broadcast %logistic3A_32 : f32 to vector<128x128xf32>
    %logistic3A_34 = arith.addf %logistic3A_33, %logistic3A_31 : vector<128x128xf32>
    %logistic3A_35 = arith.divf %logistic3A_33, %logistic3A_34 : vector<128x128xf32>
    %sub3A_36 = arith.subf %logistic3A_29, %logistic3A_35 : vector<128x128xf32>
    %log3A = math.log %sub3A_36 : vector<128x128xf32>
    %swap3A = arith.constant 0 : index
    %swap3A_37 = arith.constant 0 : index
    %swap3A_38 = vector.load %arg4[%swap3A, %swap3A_37] : memref<128x128xf32, #tpu.memory_space<vmem>>, vector<128x128xf32>
    tpu.vector_store %arg4[%swap3A, %swap3A_37], %log3A {strides = array<i32>} : memref<128x128xf32, #tpu.memory_space<vmem>>, vector<128x128xf32>,
    %get3A_39 = arith.constant 0 : index
    %get3A_40 = arith.constant 0 : index
    %get3A_41 = vector.load %arg3[%get3A_39, %get3A_40] : memref<782x128xf32, #tpu.memory_space<vmem>>, vector<782x128xf32>
    %reduce_sum3A = vector.shape_cast %log3A : vector<128x128xf32> to vector<1x128x128xf32>
    %reduce_sum3A_42 = arith.constant dense<0.000000e+00> : vector<1xf32>
    %reduce_sum3A_43 = vector.multi_reduction <add>, %reduce_sum3A, %reduce_sum3A_42 [1, 2] : vector<1x128x128xf32> to vector<1xf32>
    %reduce_sum3A_44 = vector.shape_cast %reduce_sum3A_43 : vector<1xf32> to vector<1x1x1xf32>
    %reduce_sum3A_45 = vector.extract %reduce_sum3A_44[0, 0, 0] : f32 from vector<1x1x1xf32>
    %neg3A = arith.constant 0.000000e+00 : f32
    %neg3A_46 = arith.subf %neg3A, %reduce_sum3A_45 : f32
    %div3A_47 = arith.constant 1.000000e+02 : f32
    %div3A_48 = arith.divf %neg3A_46, %div3A_47 : f32
    %mul3A_49 = arith.mulf %get3A_41, %get3A_41 : vector<782x128xf32>
    %reduce_sum3A_50 = vector.shape_cast %mul3A_49 : vector<782x128xf32> to vector<1x782x128xf32>
    %reduce_sum3A_51 = arith.constant dense<0.000000e+00> : vector<1xf32>
    %reduce_sum3A_52 = vector.multi_reduction <add>, %reduce_sum3A_50, %reduce_sum3A_51 [1, 2] : vector<1x782x128xf32> to vector<1xf32>
    %reduce_sum3A_53 = vector.shape_cast %reduce_sum3A_52 : vector<1xf32> to vector<1x1x1xf32>
    %reduce_sum3A_54 = vector.extract %reduce_sum3A_53[0, 0, 0] : f32 from vector<1x1x1xf32>
    %mul3A_55 = arith.constant 5.000000e-01 : f32
    %mul3A_56 = arith.mulf %mul3A_55, %reduce_sum3A_54 : f32
    %add3A = arith.addf %div3A_48, %mul3A_56 : f32
    %swap3A_57 = arith.constant 0 : index
    %swap3A_58 = arith.constant 0 : index
    %swap3A_59 = memref.load %arg5[%swap3A_57, %swap3A_58] : memref<1x1xf32, #tpu.memory_space<smem>>
    memref.store %add3A, %arg5[%swap3A_57, %swap3A_58] : memref<1x1xf32, #tpu.memory_space<smem>>
    return
  }
}

</mosaic_0001>

<sc_bundles>
// kernel: kernel.4.cloned.1.call-start
scs
__scs_entry_jumppad:
0x0: {  	(pc) =	sbr.rel $0x88, $3  }
0x1: {  	(tag) =	ssettag $0x0;
	lr =	simm.s32 $0x1  }
0x2: {  	[smem:$0x3F9D] =	sst lr;
	_ =	strace $0xD0000000  }
0x3: {  	_ = 	snop  }
0x4: {  	_ = 	snop  }
0x5: {  	_ = 	snop  }
0x6: {  	_ = 	snop  }
0x7: {  	_ = 	snop  }
__scs_overlays_trampoline_lowered:
0x8: {  	[smem:$0x3FAC] =	sst s0  }
0x9: {  	[smem:$0x3FAD] =	sst s1  }
0xa: {  	[smem:$0x3FAE] =	sst s2  }
0xb: {  	[smem:$0x3FAF] =	sst s3  }
0xc: {  	[smem:$0x3FB0] =	sst s4  }
0xd: {  	[smem:$0x3FB1] =	sst s5  }
0xe: {  	[smem:$0x3FB2] =	sst s6  }
0xf: {  	[smem:$0x3FB3] =	sst s7  }
0x10: {  	[smem:$0x3FB4] =	sst s8  }
0x11: {  	[smem:$0x3FB5] =	sst s9;
	s0 =	simm.s32 @!p0 $0x0  }
0x12: {  	s1 =	sld [smem:$0x3F9B];
	s0 =	simm.s32 @p0 $0x1  }
0x13: {  	[smem:$0x3FB6] =	sst s0;
	s0 =	simm.s32 @!p1 $0x0  }
0x14: {  	s2 =	sld [smem:$0x3F9A];
	s0 =	simm.s32 @p1 $0x1  }
0x15: {  	[smem:$0x3FB7] =	sst s0;
	s0 =	simm.s32 @!p2 $0x0  }
0x16: {  	s3 =	sld [smem:$0x3FDB];
	s0 =	simm.s32 @p2 $0x1  }
0x17: {  	s4 =	simm.s32 $0x1BF5;
	[smem:$0x3FB9] =	sst s0  }
0x18: {  	s0 =	sld [smem:$0x3F9C];
	_ =	swait.ge [sflag:s4], $0x0  }
0x19: {  	s7 =	sld [smem:$0x3F9D]  }
0x1a: {  	s8 =	sadd.s32 $0xFFFFE003, lr  }
0x1b: {  	s9 =	sadd.s32 $0xFFFFFEF7, lr;
	s5 =	simm.s32 $0xFFFFFFFF;
	p2 =	slt.u32 s8, $0xFFFFF086  }
0x1c: {  	p1 =	slt.u32 s9, $0xF7A;
	s5 =	simm.s32 @!p2 $0x0  }
0x1d: {  	s5 =	simm.s32 @p1 $0x1;
	p0 =	seq.s32 s7, s2  }
0x1e: {  	s7 =	smul.u32 @!p0 $0xF7A, s2;
	p2 =	seq.s32 @!p0 s5, $0x0  }
0x1f: {  	s9 =	smul.u32 $0xF7A, s1;
	s8 =	simm.s32 @!p0 $0x1BF5;
	p2 =	por !p2, p0  }
0x20: {  	[sflag:s8] =	ssyncset.s32 @!p0 $0xFFFFF086;
	s6 =	sadd.s32 @!p0 s3, s7;
	s7 =	simm.s32 @!p0 $0x108  }
0x21: {  	s3 =	sadd.s32 s3, s9;
	s6 =	sadd.s32 @!p0 $0x88, s6;
	s7 =	simm.s32 @p2 $0x1082  }
0x22: {  	[simem:s7], [sflag:s8] =	dma.local @!p0 [hbm:s6], $0xF7A  }
0x23: {  	s9 =	sor.u32 $0xD0000000, s2;
	s6 =	simm.s32 $0x108;
	_ =	swait.ge @!p0 [sflag:s8], $0x0  }
0x24: {  	s3 =	sadd.s32 $0x88, s3;
	s6 =	simm.s32 @!p1 $0x1082;
	[sflag:s4] =	ssyncset.s32 $0xFFFFF086  }
0x25: {  	[simem:s6], [sflag:s4] =	dma.local [hbm:s3], $0xF7A  }
0x26: {  	[smem:$0x3F9D] =	sst s1;
	(tag) =	ssettag s2;
	_ =	strace s9  }
0x27: {  	s1 =	sld [smem:$0x3FAD]  }
0x28: {  	s2 =	sld [smem:$0x3FAE]  }
0x29: {  	s4 =	sld [smem:$0x3FB0]  }
0x2a: {  	p0 =	seq.s32 s5, $0x0;
	s5 =	sld [smem:$0x3FB1]  }
0x2b: {  	s6 =	sld [smem:$0x3FB2]  }
0x2c: {  	s7 =	sld [smem:$0x3FB3]  }
0x2d: {  	s3 =	simm.s32 $0x108;
	s8 =	sld [smem:$0x3FB4]  }
0x2e: {  	s3 =	simm.s32 @!p0 $0x1082;
	s9 =	sld [smem:$0x3FB5]  }
0x2f: {  	lr =	sadd.s32 s0, s3;
	s0 =	sld [smem:$0x3FAC]  }
0x30: {  	s3 =	sld [smem:$0x3FAF]  }
0x31: {  	[smem:$0x3FB8] =	sst s10  }
0x32: {  	s10 =	sld [smem:$0x3FB6];
	_ =	sdelay $0x3  }
0x33: {  	p0 =	seq.s32 s10, $0x1;
	s10 =	sld [smem:$0x3FB8];
	_ =	sdelay $0x3  }
0x34: {  	[smem:$0x3FB8] =	sst s10  }
0x35: {  	s10 =	sld [smem:$0x3FB7];
	_ =	sdelay $0x3  }
0x36: {  	p1 =	seq.s32 s10, $0x1;
	s10 =	sld [smem:$0x3FB8];
	_ =	sdelay $0x3  }
0x37: {  	[smem:$0x3FB8] =	sst s10  }
0x38: {  	s10 =	sld [smem:$0x3FB9]  }
0x39: {  	_ = 	snop;
	(pc) =	sbr.ind lr, $3  }
0x3a: {  	_ = 	snop  }
0x3b: {  	_ = 	snop  }
0x3c: {  	p2 =	seq.s32 s10, $0x1;
	s10 =	sld [smem:$0x3FB8]  }
0x3d: {  	_ =	shalt  }
0x3e: {  	_ =	shalt  }
0x3f: {  	_ =	shalt  }
0x40: {  	_ =	shalt  }
0x41: {  	_ =	shalt  }
0x42: {  	_ =	shalt  }
0x43: {  	_ =	shalt  }
0x44: {  	_ =	shalt  }
0x45: {  	_ =	shalt  }
0x46: {  	_ =	shalt  }
0x47: {  	_ =	shalt  }
0x48: {  	_ =	shalt  }
0x49: {  	_ =	shalt  }
0x4a: {  	_ =	shalt  }
0x4b: {  	_ =	shalt  }
0x4c: {  	_ =	shalt  }
0x4d: {  	_ =	shalt  }
0x4e: {  	_ =	shalt  }
0x4f: {  	_ =	shalt  }
0x50: {  	_ =	shalt  }
0x51: {  	_ =	shalt  }
0x52: {  	_ =	shalt  }
0x53: {  	_ =	shalt  }
0x54: {  	_ =	shalt  }
0x55: {  	_ =	shalt  }
0x56: {  	_ =	shalt  }
0x57: {  	_ =	shalt  }
0x58: {  	_ =	shalt  }
0x59: {  	_ =	shalt  }
0x5a: {  	_ =	shalt  }
0x5b: {  	_ =	shalt  }
0x5c: {  	_ =	shalt  }
0x5d: {  	_ =	shalt  }
0x5e: {  	_ =	shalt  }
0x5f: {  	_ =	shalt  }
0x60: {  	_ =	shalt  }
0x61: {  	_ =	shalt  }
0x62: {  	_ =	shalt  }
0x63: {  	_ =	shalt  }
0x64: {  	_ =	shalt  }
0x65: {  	_ =	shalt  }
0x66: {  	_ =	shalt  }
0x67: {  	_ =	shalt  }
0x68: {  	_ =	shalt  }
0x69: {  	_ =	shalt  }
0x6a: {  	_ =	shalt  }
0x6b: {  	_ =	shalt  }
0x6c: {  	_ =	shalt  }
0x6d: {  	_ =	shalt  }
0x6e: {  	_ =	shalt  }
0x6f: {  	_ =	shalt  }
0x70: {  	_ =	shalt  }
0x71: {  	_ =	shalt  }
0x72: {  	_ =	shalt  }
0x73: {  	_ =	shalt  }
0x74: {  	_ =	shalt  }
0x75: {  	_ =	shalt  }
0x76: {  	_ =	shalt  }
0x77: {  	_ =	shalt  }
0x78: {  	_ =	shalt  }
0x79: {  	_ =	shalt  }
0x7a: {  	_ =	shalt  }
0x7b: {  	_ =	shalt  }
0x7c: {  	_ =	shalt  }
0x7d: {  	_ =	shalt  }
0x7e: {  	_ =	shalt  }
0x7f: {  	_ =	shalt  }
0x80: {  	_ =	shalt  }
0x81: {  	_ =	shalt  }
0x82: {  	_ =	shalt  }
0x83: {  	_ =	shalt  }
0x84: {  	_ =	shalt  }
0x85: {  	_ =	shalt  }
0x86: {  	_ =	shalt  }
0x87: {  	_ =	shalt  }
.Lfunc_end0:
.L_simem_size_0:
called_computation_lowered:
.L_overlay_start_0:
0x88: {  	s2 =	sld [smem:$0x3FD9]  }
0x89: {  	s3 =	sld [smem:$0x3FFE];
	_ =	sdelay $0x1  }
0x8a: {  	s1 =	srdreg.scid  }
0x8b: {  	s0 =	sand.u32 $0x1, s1  }
0x8c: {  	s14 =	sshll.u32 s0, $0xA;
	s2 =	sadd.s32 s3, s2  }
0x8d: {  	s2 =	sadd.s32 s2, s14  }
0x8e: {  	[smem:$0x3FC4] =	sst s2  }
0x8f: {  	_ = 	snop  }
0x90: {  	s2 =	sld [smem:$0x3FD0];
	_ =	sdelay $0x2  }
0x91: {  	s15 =	simm.s32 $0xA;
	s4 =	simm.s32 $0x10  }
0x92: {  	[smem:s4], [sflag:s15] =	dma.local [hbm:s2], $0x1  }
0x93: {  	_ =	swait.eq [sflag:s15], $0x1  }
0x94: {  	[sflag:s15] =	ssyncset.done $0x0  }
0x95: {  	[sflag:s15] =	ssyncadd.s32 $0xFFFFFFFF  }
0x96: {  	s16 =	sld [smem:$0x11];
	(tm) =	ssettm $0x1  }
0x97: {  	s17 =	sld [smem:$0x3FFB];
	_ =	sdelay $0x3  }
0x98: {  	_ =	strace s17  }
0x99: {  	s3 =	sld [smem:$0x3FFC];
	_ =	sdelay $0x3  }
0x9a: {  	_ =	strace s3  }
0x9b: {  	s3 =	sld [smem:$0x3FFD];
	_ =	sdelay $0x3  }
0x9c: {  	_ =	strace s3  }
0x9d: {  	_ =	strace $0x8FFFFFFF  }
0x9e: {  	s18 =	sld [smem:$0x3FDB];
	_ =	sdelay $0x1  }
0x9f: {  	s19 =	simm.s32 $_scs_section_size  }
0xa0: {  	s5 =	simm.s32 $_size__tile_overlayer_lowered;
	s6 =	simm.s32 $_tile_overlayer_lowered  }
0xa1: {  	s22 =	simm.s32 $0x1BFF;
	s21 =	sshll.u32 s6, $0x1;
	s3 =	sadd.s32 s19, s18  }
0xa2: {  	s7 =	simm.s32 $0x0;
	s20 =	sshll.u32 s5, $0x1;
	s5 =	sadd.s32 s21, s3  }
0xa3: {  	[timem:s7], [sflag:s22] =	dma.local [hbm:s5], s20  }
0xa4: {  	_ =	swait.ge [sflag:s22], s20  }
0xa5: {  	s4 =	ssub.s32 $0x0, s20;
	[sflag:s22] =	ssyncset.done $0x0  }
0xa6: {  	[sflag:s22] =	ssyncadd.s32 s4;
	_ =	sdelay $0x1  }
0xa7: {  	s23 =	simm.s32 $0x1B8B  }
0xa8: {  	_ =	swait.ge [sflag:s23], $0x1  }
0xa9: {  	[sflag:s23] =	ssyncset.done $0x0  }
0xaa: {  	s25 =	simm.s32 $0x1B8E;
	s24 =	sld [smem:$0x3FFE];
	[sflag:s23] =	ssyncadd.s32 $0xFFFFFFFF  }
0xab: {  	s26 =	simm.s32 $execute0_lowered;
	[smem:$0x3FD2] =	sst s25  }
0xac: {  	s5 =	sshll.u32 s26, $0x1;
	_ =	strace $0x80000046;
	[dreg:$0x1] =	wrdreg $0xFFFFFFFF  }
0xad: {  	s28 =	simm.s32 $_size_execute0_lowered;
	s3 =	sadd.s32 s3, s5;
	[dreg:$0x0] =	wrdreg $0x0  }
0xae: {  	s5 =	sshll.u32 s28, $0x1;
	[dreg:$0x2] =	wrdreg s3  }
0xaf: {  	[dreg:$0x3] =	wrdreg s5  }
0xb0: {  	[dreg:$0x4] =	wrdreg $0xC0  }
0xb1: {  	_ =	task [dreg:s7], $0x5FFFF  }
0xb2: {  	[dreg:$0x1] =	wrdreg $0xFFFFFFFF  }
0xb3: {  	[dreg:$0x0] =	wrdreg $0x60  }
0xb4: {  	[dreg:$0x2] =	wrdreg s24  }
0xb5: {  	[dreg:$0x3] =	wrdreg s16  }
0xb6: {  	[dreg:$0x4] =	wrdreg $0x9  }
0xb7: {  	_ =	task.clear_ibuf [dreg:s7], $0x5FFFF;
	_ =	strace $0x90000046  }
0xb8: {  	s29 =	simm.s32 $0x9;
	_ =	strace $0x80000048  }
0xb9: {  	_ =	swait.ge [sflag:s29], $0x1  }
0xba: {  	[sflag:s29] =	ssyncadd.s32 $0xFFFFFFFF  }
0xbb: {  	_ =	strace $0x90000048  }
0xbc: {  	_ =	sfence  }
0xbd: {  	s30 =	sld [smem:$0x0];
	_ =	sdelay $0x2  }
0xbe: {  	s31 =	sshll.u32 s1, $0xD;
	s1 =	sshrl.u32 s1, $0x2  }
0xbf: {  	s3 =	sand.u32 $0x4000, s31;
	s1 =	sadd.s32 s1, s30  }
0xc0: {  	s0 =	sor.u32 s3, s0;
	s1 =	sshll.u32 s1, $0x11  }
0xc1: {  	s0 =	sor.u32 s1, s0  }
0xc2: {  	s0 =	sadd.s32 $0x8F2B, s0  }
0xc3: {  	[sflag:s0] =	ssyncadd.remote.s32 $0x1  }
0xc4: {  	_ =	sfence.sel $0xFFFF  }
0xc5: {  	[dreg:$0x0] =	wrdreg $0xFFFFFFFF;
	(pc) =	sbr.abs _section_cstart, $3  }
0xc6: {  	[dreg:$0x1] =	wrdreg $0xFFFFFFFF  }
0xc7: {  	_ =	task.clear_ibuf [dreg:s7], $0x2FFFF;
	_ =	strace $0x9FFFFFFF  }
0xc8: {  	(tm) =	ssettm $0x7FFFFFFF  }
0xc9: {  	_ =	shalt  }
tec
execute0_lowered:
.L_overlay_start_1:
0x0: {  	(tag) =	ssettag $0x1  }
0x1: {  	v0 =	vlaneseq.u32  }
0x2: {  	s1 =	rddreg [dreg:$0x0];
	v1 =	vimm.s32 $0xB80;
	vm0 =	vcmask $0x300;
	v2 =	vimm.s32 $0x1B80  }
0x3: {  	s0 =	rddreg [dreg:$0x1];
	s2 =	srdreg.scid;
	vm1 =	vcmask $0x704;
	v1 =	vsel vm0, $0x0, v1;
	v2 =	vsel vm0, $0x1000, v2  }
0x4: {  	s4 =	stileid.u32;
	vm15 =	vcmask $0xB08;
	s22 =	simm.s32 $0x18700;
	s23 =	simm.s32 $0x1A700;
	v1 =	vsel vm1, $0x80, v1;
	v2 =	vsel vm1, $0x1080, v2  }
0x5: {  	vm4 =	vcmask $0xF0C;
	s24 =	simm.s32 $0x1C700;
	s28 =	simm.s32 $0x1;
	s29 =	simm.s32 $0x4;
	v1 =	vsel vm15, $0x100, v1;
	v2 =	vsel vm15, $0x1100, v2  }
0x6: {  	vm5 =	vcmask $0x1310;
	s31 =	simm.s32 $0x5;
	s3 =	sand.u32 $0x1, s2;
	s2 =	simm.s32 $0x0;
	v1 =	vsel vm4, $0x180, v1;
	v2 =	vsel vm4, $0x1180, v2  }
0x7: {  	vm6 =	vcmask $0x1714;
	s4 =	sshll.u32 s4, $0xA;
	s5 =	sshll.u32 s3, $0x9;
	[smem:$0x7FF] =	sst s2;
	v1 =	vsel vm5, $0x200, v1;
	v2 =	vsel vm5, $0x1200, v2  }
0x8: {  	vm7 =	vcmask $0x1B18;
	s25 =	ssub.s32 $0x2, s3;
	s3 =	sadd.s32 $0x80A00, s1;
	s20 =	sor.u32 s5, s4;
	v1 =	vsel vm6, $0x280, v1;
	v2 =	vsel vm6, $0x1280, v2  }
0x9: {  	vm8 =	vcmask $0x1F1C;
	_ =	strace $0x80000047;
	s26 =	sshrl.u32 s25, $0x1;
	s4 =	sshll.u32 s20, $0x5;
	v1 =	vsel vm7, $0x300, v1;
	v2 =	vsel vm7, $0x1300, v2  }
0xa: {  	vm9 =	vcmask $0x2320;
	s21 =	ssub.s32 s25, s26;
	s30 =	sshrl.u32 s20, $0x3;
	s25 =	simm.s32 $0x2;
	v1 =	vsel vm8, $0x380, v1;
	v2 =	vsel vm8, $0x1380, v2  }
0xb: {  	vm10 =	vcmask $0x2724;
	s26 =	simm.s32 $0x3;
	s1 =	sadd.s32 s4, s1;
	s20 =	sadd.s32 s0, s30;
	v1 =	vsel vm9, $0x800, v1;
	v2 =	vsel vm9, $0x1800, v2  }
0xc: {  	vm11 =	vcmask $0x2B28;
	s21 =	smax.u32 s21, $0x1;
	s0 =	simm.s32 $0x0;
	s4 =	sadd.s32 $0xA00, s1;
	v1 =	vsel vm10, $0x880, v1;
	v2 =	vsel vm10, $0x1880, v2  }
0xd: {  	vm12 =	vcmask $0x2F2C;
	s5 =	sadd.s32 $0xE00, s1;
	s6 =	sadd.s32 $0x1200, s1;
	s7 =	sadd.s32 $0x1600, s1;
	v1 =	vsel vm11, $0x900, v1;
	v2 =	vsel vm11, $0x1900, v2  }
0xe: {  	vm13 =	vcmask $0x3330;
	s8 =	sadd.s32 $0x1A00, s1;
	s9 =	sadd.s32 $0x1E00, s1;
	s10 =	sadd.s32 $0x2200, s1;
	v1 =	vsel vm12, $0x980, v1;
	v2 =	vsel vm12, $0x1980, v2  }
0xf: {  	vm14 =	vcmask $0x3734;
	s11 =	sadd.s32 $0x2600, s1;
	s12 =	sadd.s32 $0x2A00, s1;
	s13 =	sadd.s32 $0x2E00, s1;
	v1 =	vsel vm13, $0xA00, v1;
	v2 =	vsel vm13, $0x1A00, v2  }
0x10: {  	vm15 =	vcmask $0x3B38;
	s14 =	sadd.s32 $0x3200, s1;
	s15 =	sadd.s32 $0x3600, s1;
	s16 =	sadd.s32 $0x3A00, s1;
	v3 =	vsel vm14, $0xA80, v1;
	v4 =	vsel vm14, $0x1A80, v2  }
0x11: {  	s17 =	sadd.s32 $0x3E00, s1;
	s18 =	sadd.s32 $0x4200, s1;
	s19 =	sadd.s32 $0x4600, s1;
	v1 =	vadd.s32 $0xFFFFFF38, v0;
	v2 =	vsel vm15, $0xB00, v3;
	v3 =	vsel vm15, $0x1B00, v4  }
.LBB2_1:
0x12: {  	[tilespmem:s22], [sflag:$0x2] =	stream.linear.gather [hbm4b:s4+s2], $0x2000, $0x38;
	[tilespmem:$0x1E900] =	vst v63  }
0x13: {  	_ = 	snop  }
0x14: {  	[tilespmem:s23], [sflag:$0x3] =	stream.linear.gather [hbm4b:s5+s2], $0x2000, $0x38;
	[tilespmem:$0x1E900] =	vst v63  }
0x15: {  	_ = 	snop  }
0x16: {  	[tilespmem:s24], [sflag:$0x4] =	stream.linear.gather [hbm4b:s6+s2], $0x2000, $0x38;
	[tilespmem:$0x1E900] =	vst v63  }
0x17: {  	v4 =	vadd.s32 s2, v0  }
0x18: {  	v5 =	vadd.s32 s2, v1;
	vm0 =	vgt.u32 v4, $0xC7;
	[tilespmem:s2], [sflag:$0x1] =	stream.linear.gather [hbm4b:s3+s2], $0x18700, $0x38;
	[tilespmem:$0x1E900] =	vst v63  }
0x19: {  	v4 =	vsel vm0, v5, v4;
	_ =	swait.ge [sflag:s25], $0x2000  }
0x1a: {  	v5 =	vshll.u32 v4, $0x3;
	[sflag:s25] =	ssyncset.done $0x0  }
0x1b: {  	v4 =	vand.u32 $0x7F, v4;
	v5 =	vand.u32 $0xFFFFFC00, v5;
	[sflag:s25] =	ssyncadd.s32 $0xFFFFE000  }
0x1c: {  	s1 =	simm.s32 $0x1;
	v4 =	vor.u32 v4, v5;
	_ =	swait.ge [sflag:s26], $0x2000  }
0x1d: {  	v6 =	vadd.s32 s1, v0;
	v5 =	vadd.s32 v3, v4;
	[sflag:s26] =	ssyncset.done $0x0  }
0x1e: {  	v7 =	vadd.s32 s1, v1;
	vm14 =	vgt.u32 v6, $0xC7;
	[sflag:s26] =	ssyncadd.s32 $0xFFFFE000  }
0x1f: {  	v6 =	vsel vm14, v7, v6;
	v4 =	vadd.s32 v2, v4;
	_ =	swait.ge [sflag:s28], $0x18700  }
0x20: {  	v8 =	vshll.u32 v6, $0x3;
	[sflag:s28] =	ssyncset.done $0x0  }
0x21: {  	v6 =	vand.u32 $0x7F, v6;
	v8 =	vand.u32 $0xFFFFFC00, v8;
	[sflag:s28] =	ssyncadd.s32 $0xFFFE7900  }
0x22: {  	v6 =	vor.u32 v6, v8;
	v7 =	vld.idx.msk [tilespmem:v5+s23+$0x0], $0xffff  }
0x23: {  	v9 =	vadd.s32 v3, v6  }
0x24: {  	v6 =	vadd.s32 v2, v6;
	v10 =	vld.idx.msk [tilespmem:v4+s22+$0x0], $0xffff  }
0x25: {  	s1 =	simm.s32 $0x2;
	v11 =	vld.idx.msk [tilespmem:v5+s22+$0x0], $0xffff  }
0x26: {  	v17 =	vld.idx.msk [tilespmem:v4+s23+$0x0], $0xffff;
	v4 =	vadd.s32 s1, v0  }
0x27: {  	v5 =	vadd.s32 s1, v1;
	vm15 =	vgt.u32 v4, $0xC7  }
0x28: {  	v13 =	vld.idx.msk [tilespmem:v9+s23+$0x0], $0xffff;
	v4 =	vsel vm15, v5, v4  }
0x29: {  	v8 =	vld.idx.msk [tilespmem:v6+s22+$0x0], $0xffff;
	v5 =	vshll.u32 v4, $0x3  }
0x2a: {  	v4 =	vand.u32 $0x7F, v4;
	v12 =	vand.u32 $0xFFFFFC00, v5;
	v7 =	vld.idx.msk [tilespmem:v7+s2+$0x0], $0xffff  }
0x2b: {  	v15 =	vld.idx.msk [tilespmem:v6+s23+$0x0], $0xffff;
	v4 =	vor.u32 v4, v12  }
0x2c: {  	v9 =	vld.idx.msk [tilespmem:v9+s22+$0x0], $0xffff;
	v16 =	vadd.s32 v3, v4  }
0x2d: {  	v14 =	vadd.s32 v2, v4;
	v12 =	vld.idx.msk [tilespmem:v10+s2+$0x0], $0xffff  }
0x2e: {  	s1 =	simm.s32 $0x3;
	v6 =	vimm.f32 $0.0e+00;
	v5 =	vimm.f32 $0.0e+00;
	v11 =	vld.idx.msk [tilespmem:v11+s2+$0x0], $0xffff  }
0x2f: {  	s30 =	simm.s32 $0x4;
	v10 =	vld.idx.msk [tilespmem:v17+s2+$0x0], $0xffff;
	v17 =	vadd.s32 s1, v0;
	v4 =	vadd.f32 v7, v5;
	v7 =	vimm.f32 $0.0e+00  }
.LBB2_2:
0x30: {  	p0 =	sne.s32 s30, $0xC7;
	vm0 =	vgt.u32 v17, $0xC7;
	v18 =	vadd.s32 s1, v1;
	v19 =	vld.idx.msk [tilespmem:v13+s2+$0x0], $0xffff;
	v20 =	vmov v15;
	s1 =	smov.u32 s30  }
0x31: {  	v15 =	vsel vm0, v18, v17;
	v13 =	vld.idx.msk [tilespmem:v16+s23+$0x0], $0xffff  }
0x32: {  	v5 =	vadd.f32 v12, v5;
	v17 =	vshll.u32 v15, $0x3;
	v18 =	vld.idx.msk [tilespmem:v14+s22+$0x0], $0xffff  }
0x33: {  	v12 =	vand.u32 $0x7F, v15;
	v7 =	vadd.f32 v11, v7;
	v15 =	vand.u32 $0xFFFFFC00, v17;
	v21 =	vld.idx.msk [tilespmem:v16+s22+$0x0], $0xffff  }
.Ltmp0:
0x34: {  	v6 =	vadd.f32 v10, v6;
	v11 =	vor.u32 v12, v15;
	v15 =	vld.idx.msk [tilespmem:v14+s23+$0x0], $0xffff;
	(pc) =	sbr.rel @p0 .LBB2_2-.Ltmp0, $4  }
0x35: {  	v14 =	vadd.s32 v2, v11;
	v16 =	vadd.s32 v3, v11;
	v12 =	vld.idx.msk [tilespmem:v8+s2+$0x0], $0xffff  }
0x36: {  	v4 =	vadd.f32 v19, v4;
	v11 =	vld.idx.msk [tilespmem:v9+s2+$0x0], $0xffff  }
0x37: {  	v10 =	vld.idx.msk [tilespmem:v20+s2+$0x0], $0xffff;
	v8 =	vmov v18  }
0x38: {  	s30 =	sadd.s32 $0x1, s30;
	v17 =	vadd.s32 s1, v0;
	v9 =	vmov v21  }
0x39: {  	_ =	sdelay $0x1  }
0x3a: {  	vm0 =	vgt.u32 v17, $0xC7;
	v18 =	vadd.s32 s1, v1  }
0x3b: {  	v17 =	vsel vm0, v18, v17  }
0x3c: {  	v13 =	vld.idx.msk [tilespmem:v13+s2+$0x0], $0xffff;
	v18 =	vshll.u32 v17, $0x3  }
0x3d: {  	v19 =	vld.idx.msk [tilespmem:v16+s23+$0x0], $0xffff;
	v17 =	vand.u32 $0x7F, v17;
	v18 =	vand.u32 $0xFFFFFC00, v18  }
0x3e: {  	v20 =	vld.idx.msk [tilespmem:v14+s22+$0x0], $0xffff;
	v17 =	vor.u32 v17, v18  }
0x3f: {  	v16 =	vld.idx.msk [tilespmem:v16+s22+$0x0], $0xffff;
	v18 =	vadd.s32 v2, v17  }
0x40: {  	v14 =	vld.idx.msk [tilespmem:v14+s23+$0x0], $0xffff;
	v17 =	vadd.s32 v3, v17  }
0x41: {  	v8 =	vld.idx.msk [tilespmem:v8+s2+$0x0], $0xffff  }
0x42: {  	v9 =	vld.idx.msk [tilespmem:v9+s2+$0x0], $0xffff  }
0x43: {  	v15 =	vld.idx.msk [tilespmem:v15+s2+$0x0], $0xffff  }
0x44: {  	v21 =	vld.idx.msk [tilespmem:v18+s22+$0x0], $0xffff  }
0x45: {  	v22 =	vld.idx.msk [tilespmem:v17+s22+$0x0], $0xffff  }
0x46: {  	v18 =	vld.idx.msk [tilespmem:v18+s23+$0x0], $0xffff  }
0x47: {  	v17 =	vld.idx.msk [tilespmem:v17+s23+$0x0], $0xffff  }
0x48: {  	v19 =	vld.idx.msk [tilespmem:v19+s2+$0x0], $0xffff  }
0x49: {  	v20 =	vld.idx.msk [tilespmem:v20+s2+$0x0], $0xffff  }
0x4a: {  	v16 =	vld.idx.msk [tilespmem:v16+s2+$0x0], $0xffff  }
0x4b: {  	v5 =	vadd.f32 v12, v5;
	v12 =	vld.idx.msk [tilespmem:v14+s2+$0x0], $0xffff  }
0x4c: {  	v7 =	vadd.f32 v11, v7;
	v11 =	vld.idx.msk [tilespmem:v21+s2+$0x0], $0xffff  }
0x4d: {  	v6 =	vadd.f32 v10, v6;
	v5 =	vadd.f32 v8, v5;
	v8 =	vld.idx.msk [tilespmem:v22+s2+$0x0], $0xffff  }
0x4e: {  	v7 =	vadd.f32 v9, v7;
	v9 =	vld.idx.msk [tilespmem:v18+s2+$0x0], $0xffff  }
0x4f: {  	v6 =	vadd.f32 v15, v6;
	v5 =	vadd.f32 v20, v5;
	v10 =	vld.idx.msk [tilespmem:v17+s2+$0x0], $0xffff  }
0x50: {  	v4 =	vadd.f32 v13, v4;
	v7 =	vadd.f32 v16, v7  }
0x51: {  	v6 =	vadd.f32 v12, v6;
	v5 =	vadd.f32 v11, v5  }
0x52: {  	v4 =	vadd.f32 v19, v4;
	v7 =	vadd.f32 v8, v7  }
0x53: {  	v6 =	vadd.f32 v9, v6;
	[tilespmem:$0x1E700] =	vst v5  }
0x54: {  	s1 =	simm.s32 $0x0;
	v4 =	vadd.f32 v10, v4;
	[tilespmem:$0x1E710] =	vst v7  }
0x55: {  	[tilespmem:$0x1E720] =	vst v6;
	v5 =	vadd.s32 s1, v0  }
0x56: {  	[tilespmem:$0x1E730] =	vst v4;
	v4 =	vadd.s32 s1, v1;
	vm13 =	vgt.u32 v5, $0xC7  }
0x57: {  	[tilespmem:s22], [sflag:$0x2] =	stream.linear.gather [hbm4b:s7+s1], $0x2000, $0x38;
	v4 =	vsel vm13, v4, v5;
	[tilespmem:$0x1E900] =	vst v63  }
0x58: {  	v5 =	vshll.u32 v4, $0x3  }
0x59: {  	[tilespmem:s23], [sflag:$0x3] =	stream.linear.gather [hbm4b:s8+s1], $0x2000, $0x38;
	v4 =	vand.u32 $0x7F, v4;
	v5 =	vand.u32 $0xFFFFFC00, v5;
	[tilespmem:$0x1E900] =	vst v63  }
0x5a: {  	s1 =	simm.s32 $0x1;
	_ =	swait.ge [sflag:s29], $0x2000;
	v4 =	vor.u32 v4, v5  }
0x5b: {  	v6 =	vadd.s32 s1, v0;
	[sflag:s29] =	ssyncset.done $0x0;
	v5 =	vadd.s32 v3, v4  }
0x5c: {  	v7 =	vadd.s32 s1, v1;
	vm14 =	vgt.u32 v6, $0xC7;
	[sflag:s29] =	ssyncadd.s32 $0xFFFFE000  }
0x5d: {  	v4 =	vadd.s32 v2, v4;
	v6 =	vsel vm14, v7, v6;
	_ =	swait.ge [sflag:s25], $0x2000  }
0x5e: {  	v8 =	vshll.u32 v6, $0x3;
	[sflag:s25] =	ssyncset.done $0x0  }
0x5f: {  	v6 =	vand.u32 $0x7F, v6;
	v8 =	vand.u32 $0xFFFFFC00, v8;
	[sflag:s25] =	ssyncadd.s32 $0xFFFFE000  }
0x60: {  	v6 =	vor.u32 v6, v8;
	v7 =	vld.idx.msk [tilespmem:v5+s22+$0x0], $0xffff  }
0x61: {  	v9 =	vadd.s32 v3, v6  }
0x62: {  	v6 =	vadd.s32 v2, v6;
	v10 =	vld.idx.msk [tilespmem:v4+s24+$0x0], $0xffff  }
0x63: {  	s1 =	simm.s32 $0x2;
	v11 =	vld.idx.msk [tilespmem:v5+s24+$0x0], $0xffff  }
0x64: {  	v17 =	vld.idx.msk [tilespmem:v4+s22+$0x0], $0xffff;
	v4 =	vadd.s32 s1, v0  }
0x65: {  	v5 =	vadd.s32 s1, v1;
	vm15 =	vgt.u32 v4, $0xC7  }
0x66: {  	v4 =	vsel vm15, v5, v4;
	v13 =	vld.idx.msk [tilespmem:v9+s22+$0x0], $0xffff  }
0x67: {  	v5 =	vshll.u32 v4, $0x3;
	v8 =	vld.idx.msk [tilespmem:v6+s24+$0x0], $0xffff  }
0x68: {  	v4 =	vand.u32 $0x7F, v4;
	v12 =	vand.u32 $0xFFFFFC00, v5;
	v7 =	vld.idx.msk [tilespmem:v7+s2+$0x0], $0xffff  }
0x69: {  	v15 =	vld.idx.msk [tilespmem:v6+s22+$0x0], $0xffff;
	v4 =	vor.u32 v4, v12  }
0x6a: {  	v9 =	vld.idx.msk [tilespmem:v9+s24+$0x0], $0xffff;
	v16 =	vadd.s32 v3, v4  }
0x6b: {  	v14 =	vadd.s32 v2, v4;
	v12 =	vld.idx.msk [tilespmem:v10+s2+$0x0], $0xffff  }
0x6c: {  	s1 =	simm.s32 $0x3;
	v5 =	vimm.f32 $0.0e+00;
	v6 =	vimm.f32 $0.0e+00;
	v11 =	vld.idx.msk [tilespmem:v11+s2+$0x0], $0xffff  }
0x6d: {  	s30 =	simm.s32 $0x4;
	v10 =	vld.idx.msk [tilespmem:v17+s2+$0x0], $0xffff;
	v17 =	vadd.s32 s1, v0;
	v4 =	vadd.f32 v7, v5;
	v7 =	vimm.f32 $0.0e+00  }
.LBB2_4:
0x6e: {  	p0 =	sne.s32 s30, $0xC7;
	vm0 =	vgt.u32 v17, $0xC7;
	v18 =	vadd.s32 s1, v1;
	v19 =	vld.idx.msk [tilespmem:v13+s2+$0x0], $0xffff;
	v20 =	vmov v15;
	s1 =	smov.u32 s30  }
0x6f: {  	v15 =	vsel vm0, v18, v17;
	v13 =	vld.idx.msk [tilespmem:v16+s22+$0x0], $0xffff  }
0x70: {  	v5 =	vadd.f32 v12, v5;
	v17 =	vshll.u32 v15, $0x3;
	v18 =	vld.idx.msk [tilespmem:v14+s24+$0x0], $0xffff  }
0x71: {  	v12 =	vand.u32 $0x7F, v15;
	v7 =	vadd.f32 v11, v7;
	v15 =	vand.u32 $0xFFFFFC00, v17;
	v21 =	vld.idx.msk [tilespmem:v16+s24+$0x0], $0xffff  }
.Ltmp1:
0x72: {  	v6 =	vadd.f32 v10, v6;
	v11 =	vor.u32 v12, v15;
	v15 =	vld.idx.msk [tilespmem:v14+s22+$0x0], $0xffff;
	(pc) =	sbr.rel @p0 .LBB2_4-.Ltmp1, $4  }
0x73: {  	v14 =	vadd.s32 v2, v11;
	v16 =	vadd.s32 v3, v11;
	v12 =	vld.idx.msk [tilespmem:v8+s2+$0x0], $0xffff  }
0x74: {  	v4 =	vadd.f32 v19, v4;
	v11 =	vld.idx.msk [tilespmem:v9+s2+$0x0], $0xffff  }
0x75: {  	v10 =	vld.idx.msk [tilespmem:v20+s2+$0x0], $0xffff;
	v8 =	vmov v18  }
0x76: {  	s30 =	sadd.s32 $0x1, s30;
	v17 =	vadd.s32 s1, v0;
	v9 =	vmov v21  }
0x77: {  	_ =	sdelay $0x1  }
0x78: {  	vm0 =	vgt.u32 v17, $0xC7;
	v18 =	vadd.s32 s1, v1  }
0x79: {  	v17 =	vsel vm0, v18, v17  }
0x7a: {  	v13 =	vld.idx.msk [tilespmem:v13+s2+$0x0], $0xffff;
	v18 =	vshll.u32 v17, $0x3  }
0x7b: {  	v19 =	vld.idx.msk [tilespmem:v16+s22+$0x0], $0xffff;
	v17 =	vand.u32 $0x7F, v17;
	v18 =	vand.u32 $0xFFFFFC00, v18  }
0x7c: {  	v20 =	vld.idx.msk [tilespmem:v14+s24+$0x0], $0xffff;
	v17 =	vor.u32 v17, v18  }
0x7d: {  	v16 =	vld.idx.msk [tilespmem:v16+s24+$0x0], $0xffff;
	v18 =	vadd.s32 v2, v17  }
0x7e: {  	v14 =	vld.idx.msk [tilespmem:v14+s22+$0x0], $0xffff;
	v17 =	vadd.s32 v3, v17  }
0x7f: {  	v8 =	vld.idx.msk [tilespmem:v8+s2+$0x0], $0xffff  }
0x80: {  	v9 =	vld.idx.msk [tilespmem:v9+s2+$0x0], $0xffff  }
0x81: {  	v15 =	vld.idx.msk [tilespmem:v15+s2+$0x0], $0xffff  }
0x82: {  	v21 =	vld.idx.msk [tilespmem:v18+s24+$0x0], $0xffff  }
0x83: {  	v22 =	vld.idx.msk [tilespmem:v17+s24+$0x0], $0xffff  }
0x84: {  	v18 =	vld.idx.msk [tilespmem:v18+s22+$0x0], $0xffff  }
0x85: {  	v17 =	vld.idx.msk [tilespmem:v17+s22+$0x0], $0xffff  }
0x86: {  	v19 =	vld.idx.msk [tilespmem:v19+s2+$0x0], $0xffff  }
0x87: {  	v20 =	vld.idx.msk [tilespmem:v20+s2+$0x0], $0xffff  }
0x88: {  	v16 =	vld.idx.msk [tilespmem:v16+s2+$0x0], $0xffff  }
0x89: {  	v5 =	vadd.f32 v12, v5;
	v12 =	vld.idx.msk [tilespmem:v14+s2+$0x0], $0xffff  }
0x8a: {  	v7 =	vadd.f32 v11, v7;
	v11 =	vld.idx.msk [tilespmem:v21+s2+$0x0], $0xffff  }
0x8b: {  	v6 =	vadd.f32 v10, v6;
	v5 =	vadd.f32 v8, v5;
	v8 =	vld.idx.msk [tilespmem:v22+s2+$0x0], $0xffff  }
0x8c: {  	v7 =	vadd.f32 v9, v7;
	v9 =	vld.idx.msk [tilespmem:v18+s2+$0x0], $0xffff  }
0x8d: {  	v6 =	vadd.f32 v15, v6;
	v5 =	vadd.f32 v20, v5;
	v10 =	vld.idx.msk [tilespmem:v17+s2+$0x0], $0xffff  }
0x8e: {  	v4 =	vadd.f32 v13, v4;
	v7 =	vadd.f32 v16, v7  }
0x8f: {  	v6 =	vadd.f32 v12, v6;
	v5 =	vadd.f32 v11, v5  }
0x90: {  	v4 =	vadd.f32 v19, v4;
	v7 =	vadd.f32 v8, v7  }
0x91: {  	v6 =	vadd.f32 v9, v6;
	[tilespmem:$0x1E740] =	vst v5  }
0x92: {  	s1 =	simm.s32 $0x0;
	v4 =	vadd.f32 v10, v4;
	[tilespmem:$0x1E750] =	vst v7  }
0x93: {  	[tilespmem:$0x1E760] =	vst v6;
	v5 =	vadd.s32 s1, v0  }
0x94: {  	[tilespmem:$0x1E770] =	vst v4;
	v4 =	vadd.s32 s1, v1;
	vm13 =	vgt.u32 v5, $0xC7  }
0x95: {  	[tilespmem:s24], [sflag:$0x4] =	stream.linear.gather [hbm4b:s9+s1], $0x2000, $0x38;
	v4 =	vsel vm13, v4, v5;
	[tilespmem:$0x1E900] =	vst v63  }
0x96: {  	v5 =	vshll.u32 v4, $0x3  }
0x97: {  	[tilespmem:s22], [sflag:$0x2] =	stream.linear.gather [hbm4b:s10+s1], $0x2000, $0x38;
	v4 =	vand.u32 $0x7F, v4;
	v5 =	vand.u32 $0xFFFFFC00, v5;
	[tilespmem:$0x1E900] =	vst v63  }
0x98: {  	s1 =	simm.s32 $0x1;
	_ =	swait.ge [sflag:s26], $0x2000;
	v4 =	vor.u32 v4, v5  }
0x99: {  	v6 =	vadd.s32 s1, v0;
	[sflag:s26] =	ssyncset.done $0x0;
	v5 =	vadd.s32 v3, v4  }
0x9a: {  	v7 =	vadd.s32 s1, v1;
	vm14 =	vgt.u32 v6, $0xC7;
	[sflag:s26] =	ssyncadd.s32 $0xFFFFE000  }
0x9b: {  	v4 =	vadd.s32 v2, v4;
	v6 =	vsel vm14, v7, v6;
	_ =	swait.ge [sflag:s29], $0x2000  }
0x9c: {  	v8 =	vshll.u32 v6, $0x3;
	[sflag:s29] =	ssyncset.done $0x0  }
0x9d: {  	v6 =	vand.u32 $0x7F, v6;
	v8 =	vand.u32 $0xFFFFFC00, v8;
	[sflag:s29] =	ssyncadd.s32 $0xFFFFE000  }
0x9e: {  	v6 =	vor.u32 v6, v8;
	v7 =	vld.idx.msk [tilespmem:v5+s24+$0x0], $0xffff  }
0x9f: {  	v9 =	vadd.s32 v3, v6  }
0xa0: {  	v6 =	vadd.s32 v2, v6;
	v10 =	vld.idx.msk [tilespmem:v4+s23+$0x0], $0xffff  }
0xa1: {  	s1 =	simm.s32 $0x2;
	v11 =	vld.idx.msk [tilespmem:v5+s23+$0x0], $0xffff  }
0xa2: {  	v17 =	vld.idx.msk [tilespmem:v4+s24+$0x0], $0xffff;
	v4 =	vadd.s32 s1, v0  }
0xa3: {  	v5 =	vadd.s32 s1, v1;
	vm15 =	vgt.u32 v4, $0xC7  }
0xa4: {  	v4 =	vsel vm15, v5, v4;
	v13 =	vld.idx.msk [tilespmem:v9+s24+$0x0], $0xffff  }
0xa5: {  	v5 =	vshll.u32 v4, $0x3;
	v8 =	vld.idx.msk [tilespmem:v6+s23+$0x0], $0xffff  }
0xa6: {  	v4 =	vand.u32 $0x7F, v4;
	v12 =	vand.u32 $0xFFFFFC00, v5;
	v7 =	vld.idx.msk [tilespmem:v7+s2+$0x0], $0xffff  }
0xa7: {  	v15 =	vld.idx.msk [tilespmem:v6+s24+$0x0], $0xffff;
	v4 =	vor.u32 v4, v12  }
0xa8: {  	v9 =	vld.idx.msk [tilespmem:v9+s23+$0x0], $0xffff;
	v16 =	vadd.s32 v3, v4  }
0xa9: {  	v14 =	vadd.s32 v2, v4;
	v12 =	vld.idx.msk [tilespmem:v10+s2+$0x0], $0xffff  }
0xaa: {  	s1 =	simm.s32 $0x3;
	v5 =	vimm.f32 $0.0e+00;
	v6 =	vimm.f32 $0.0e+00;
	v11 =	vld.idx.msk [tilespmem:v11+s2+$0x0], $0xffff  }
0xab: {  	s30 =	simm.s32 $0x4;
	v10 =	vld.idx.msk [tilespmem:v17+s2+$0x0], $0xffff;
	v17 =	vadd.s32 s1, v0;
	v4 =	vadd.f32 v7, v5;
	v7 =	vimm.f32 $0.0e+00  }
.LBB2_6:
0xac: {  	p0 =	sne.s32 s30, $0xC7;
	vm0 =	vgt.u32 v17, $0xC7;
	v18 =	vadd.s32 s1, v1;
	v19 =	vld.idx.msk [tilespmem:v13+s2+$0x0], $0xffff;
	v20 =	vmov v15;
	s1 =	smov.u32 s30  }
0xad: {  	v15 =	vsel vm0, v18, v17;
	v13 =	vld.idx.msk [tilespmem:v16+s24+$0x0], $0xffff  }
0xae: {  	v5 =	vadd.f32 v12, v5;
	v17 =	vshll.u32 v15, $0x3;
	v18 =	vld.idx.msk [tilespmem:v14+s23+$0x0], $0xffff  }
0xaf: {  	v12 =	vand.u32 $0x7F, v15;
	v7 =	vadd.f32 v11, v7;
	v15 =	vand.u32 $0xFFFFFC00, v17;
	v21 =	vld.idx.msk [tilespmem:v16+s23+$0x0], $0xffff  }
.Ltmp2:
0xb0: {  	v6 =	vadd.f32 v10, v6;
	v11 =	vor.u32 v12, v15;
	v15 =	vld.idx.msk [tilespmem:v14+s24+$0x0], $0xffff;
	(pc) =	sbr.rel @p0 .LBB2_6-.Ltmp2, $4  }
0xb1: {  	v14 =	vadd.s32 v2, v11;
	v16 =	vadd.s32 v3, v11;
	v12 =	vld.idx.msk [tilespmem:v8+s2+$0x0], $0xffff  }
0xb2: {  	v4 =	vadd.f32 v19, v4;
	v11 =	vld.idx.msk [tilespmem:v9+s2+$0x0], $0xffff  }
0xb3: {  	v10 =	vld.idx.msk [tilespmem:v20+s2+$0x0], $0xffff;
	v8 =	vmov v18  }
0xb4: {  	s30 =	sadd.s32 $0x1, s30;
	v17 =	vadd.s32 s1, v0;
	v9 =	vmov v21  }
0xb5: {  	_ =	sdelay $0x1  }
0xb6: {  	vm0 =	vgt.u32 v17, $0xC7;
	v18 =	vadd.s32 s1, v1  }
0xb7: {  	v17 =	vsel vm0, v18, v17  }
0xb8: {  	v13 =	vld.idx.msk [tilespmem:v13+s2+$0x0], $0xffff;
	v18 =	vshll.u32 v17, $0x3  }
0xb9: {  	v19 =	vld.idx.msk [tilespmem:v16+s24+$0x0], $0xffff;
	v17 =	vand.u32 $0x7F, v17;
	v18 =	vand.u32 $0xFFFFFC00, v18  }
0xba: {  	v20 =	vld.idx.msk [tilespmem:v14+s23+$0x0], $0xffff;
	v17 =	vor.u32 v17, v18  }
0xbb: {  	v16 =	vld.idx.msk [tilespmem:v16+s23+$0x0], $0xffff;
	v18 =	vadd.s32 v2, v17  }
0xbc: {  	v14 =	vld.idx.msk [tilespmem:v14+s24+$0x0], $0xffff;
	v17 =	vadd.s32 v3, v17  }
0xbd: {  	v8 =	vld.idx.msk [tilespmem:v8+s2+$0x0], $0xffff  }
0xbe: {  	v9 =	vld.idx.msk [tilespmem:v9+s2+$0x0], $0xffff  }
0xbf: {  	v15 =	vld.idx.msk [tilespmem:v15+s2+$0x0], $0xffff  }
0xc0: {  	v21 =	vld.idx.msk [tilespmem:v18+s23+$0x0], $0xffff  }
0xc1: {  	v22 =	vld.idx.msk [tilespmem:v17+s23+$0x0], $0xffff  }
0xc2: {  	v18 =	vld.idx.msk [tilespmem:v18+s24+$0x0], $0xffff  }
0xc3: {  	v17 =	vld.idx.msk [tilespmem:v17+s24+$0x0], $0xffff  }
0xc4: {  	v19 =	vld.idx.msk [tilespmem:v19+s2+$0x0], $0xffff  }
0xc5: {  	v20 =	vld.idx.msk [tilespmem:v20+s2+$0x0], $0xffff  }
0xc6: {  	v16 =	vld.idx.msk [tilespmem:v16+s2+$0x0], $0xffff  }
0xc7: {  	v5 =	vadd.f32 v12, v5;
	v12 =	vld.idx.msk [tilespmem:v14+s2+$0x0], $0xffff  }
0xc8: {  	v7 =	vadd.f32 v11, v7;
	v11 =	vld.idx.msk [tilespmem:v21+s2+$0x0], $0xffff  }
0xc9: {  	v6 =	vadd.f32 v10, v6;
	v5 =	vadd.f32 v8, v5;
	v8 =	vld.idx.msk [tilespmem:v22+s2+$0x0], $0xffff  }
0xca: {  	v7 =	vadd.f32 v9, v7;
	v9 =	vld.idx.msk [tilespmem:v18+s2+$0x0], $0xffff  }
0xcb: {  	v6 =	vadd.f32 v15, v6;
	v5 =	vadd.f32 v20, v5;
	v10 =	vld.idx.msk [tilespmem:v17+s2+$0x0], $0xffff  }
0xcc: {  	v4 =	vadd.f32 v13, v4;
	v7 =	vadd.f32 v16, v7  }
0xcd: {  	v6 =	vadd.f32 v12, v6;
	v5 =	vadd.f32 v11, v5  }
0xce: {  	v4 =	vadd.f32 v19, v4;
	v7 =	vadd.f32 v8, v7  }
0xcf: {  	v6 =	vadd.f32 v9, v6;
	[tilespmem:$0x1E780] =	vst v5  }
0xd0: {  	s1 =	simm.s32 $0x0;
	v4 =	vadd.f32 v10, v4;
	[tilespmem:$0x1E790] =	vst v7  }
0xd1: {  	[tilespmem:$0x1E7A0] =	vst v6;
	v5 =	vadd.s32 s1, v0  }
0xd2: {  	[tilespmem:$0x1E7B0] =	vst v4;
	v4 =	vadd.s32 s1, v1;
	vm13 =	vgt.u32 v5, $0xC7  }
0xd3: {  	[tilespmem:s23], [sflag:$0x3] =	stream.linear.gather [hbm4b:s11+s1], $0x2000, $0x38;
	v4 =	vsel vm13, v4, v5;
	[tilespmem:$0x1E900] =	vst v63  }
0xd4: {  	v5 =	vshll.u32 v4, $0x3  }
0xd5: {  	[tilespmem:s24], [sflag:$0x4] =	stream.linear.gather [hbm4b:s12+s1], $0x2000, $0x38;
	v4 =	vand.u32 $0x7F, v4;
	v5 =	vand.u32 $0xFFFFFC00, v5;
	[tilespmem:$0x1E900] =	vst v63  }
0xd6: {  	s1 =	simm.s32 $0x1;
	_ =	swait.ge [sflag:s25], $0x2000;
	v4 =	vor.u32 v4, v5  }
0xd7: {  	v6 =	vadd.s32 s1, v0;
	[sflag:s25] =	ssyncset.done $0x0;
	v5 =	vadd.s32 v3, v4  }
0xd8: {  	v7 =	vadd.s32 s1, v1;
	vm14 =	vgt.u32 v6, $0xC7;
	[sflag:s25] =	ssyncadd.s32 $0xFFFFE000  }
0xd9: {  	v4 =	vadd.s32 v2, v4;
	v6 =	vsel vm14, v7, v6;
	_ =	swait.ge [sflag:s26], $0x2000  }
0xda: {  	v8 =	vshll.u32 v6, $0x3;
	[sflag:s26] =	ssyncset.done $0x0  }
0xdb: {  	v6 =	vand.u32 $0x7F, v6;
	v8 =	vand.u32 $0xFFFFFC00, v8;
	[sflag:s26] =	ssyncadd.s32 $0xFFFFE000  }
0xdc: {  	v6 =	vor.u32 v6, v8;
	v7 =	vld.idx.msk [tilespmem:v5+s23+$0x0], $0xffff  }
0xdd: {  	v9 =	vadd.s32 v3, v6  }
0xde: {  	v6 =	vadd.s32 v2, v6;
	v10 =	vld.idx.msk [tilespmem:v4+s22+$0x0], $0xffff  }
0xdf: {  	s1 =	simm.s32 $0x2;
	v11 =	vld.idx.msk [tilespmem:v5+s22+$0x0], $0xffff  }
0xe0: {  	v17 =	vld.idx.msk [tilespmem:v4+s23+$0x0], $0xffff;
	v4 =	vadd.s32 s1, v0  }
0xe1: {  	v5 =	vadd.s32 s1, v1;
	vm15 =	vgt.u32 v4, $0xC7  }
0xe2: {  	v4 =	vsel vm15, v5, v4;
	v13 =	vld.idx.msk [tilespmem:v9+s23+$0x0], $0xffff  }
0xe3: {  	v5 =	vshll.u32 v4, $0x3;
	v8 =	vld.idx.msk [tilespmem:v6+s22+$0x0], $0xffff  }
0xe4: {  	v4 =	vand.u32 $0x7F, v4;
	v12 =	vand.u32 $0xFFFFFC00, v5;
	v7 =	vld.idx.msk [tilespmem:v7+s2+$0x0], $0xffff  }
0xe5: {  	v15 =	vld.idx.msk [tilespmem:v6+s23+$0x0], $0xffff;
	v4 =	vor.u32 v4, v12  }
0xe6: {  	v9 =	vld.idx.msk [tilespmem:v9+s22+$0x0], $0xffff;
	v16 =	vadd.s32 v3, v4  }
0xe7: {  	v14 =	vadd.s32 v2, v4;
	v12 =	vld.idx.msk [tilespmem:v10+s2+$0x0], $0xffff  }
0xe8: {  	s1 =	simm.s32 $0x3;
	v5 =	vimm.f32 $0.0e+00;
	v6 =	vimm.f32 $0.0e+00;
	v11 =	vld.idx.msk [tilespmem:v11+s2+$0x0], $0xffff  }
0xe9: {  	s30 =	simm.s32 $0x4;
	v10 =	vld.idx.msk [tilespmem:v17+s2+$0x0], $0xffff;
	v17 =	vadd.s32 s1, v0;
	v4 =	vadd.f32 v7, v5;
	v7 =	vimm.f32 $0.0e+00  }
.LBB2_8:
0xea: {  	p0 =	sne.s32 s30, $0xC7;
	vm0 =	vgt.u32 v17, $0xC7;
	v18 =	vadd.s32 s1, v1;
	v19 =	vld.idx.msk [tilespmem:v13+s2+$0x0], $0xffff;
	v20 =	vmov v15;
	s1 =	smov.u32 s30  }
0xeb: {  	v15 =	vsel vm0, v18, v17;
	v13 =	vld.idx.msk [tilespmem:v16+s23+$0x0], $0xffff  }
0xec: {  	v5 =	vadd.f32 v12, v5;
	v17 =	vshll.u32 v15, $0x3;
	v18 =	vld.idx.msk [tilespmem:v14+s22+$0x0], $0xffff  }
0xed: {  	v12 =	vand.u32 $0x7F, v15;
	v7 =	vadd.f32 v11, v7;
	v15 =	vand.u32 $0xFFFFFC00, v17;
	v21 =	vld.idx.msk [tilespmem:v16+s22+$0x0], $0xffff  }
.Ltmp3:
0xee: {  	v6 =	vadd.f32 v10, v6;
	v11 =	vor.u32 v12, v15;
	v15 =	vld.idx.msk [tilespmem:v14+s23+$0x0], $0xffff;
	(pc) =	sbr.rel @p0 .LBB2_8-.Ltmp3, $4  }
0xef: {  	v14 =	vadd.s32 v2, v11;
	v16 =	vadd.s32 v3, v11;
	v12 =	vld.idx.msk [tilespmem:v8+s2+$0x0], $0xffff  }
0xf0: {  	v4 =	vadd.f32 v19, v4;
	v11 =	vld.idx.msk [tilespmem:v9+s2+$0x0], $0xffff  }
0xf1: {  	v10 =	vld.idx.msk [tilespmem:v20+s2+$0x0], $0xffff;
	v8 =	vmov v18  }
0xf2: {  	s30 =	sadd.s32 $0x1, s30;
	v17 =	vadd.s32 s1, v0;
	v9 =	vmov v21  }
0xf3: {  	_ =	sdelay $0x1  }
0xf4: {  	vm0 =	vgt.u32 v17, $0xC7;
	v18 =	vadd.s32 s1, v1  }
0xf5: {  	v17 =	vsel vm0, v18, v17  }
0xf6: {  	v13 =	vld.idx.msk [tilespmem:v13+s2+$0x0], $0xffff;
	v18 =	vshll.u32 v17, $0x3  }
0xf7: {  	v19 =	vld.idx.msk [tilespmem:v16+s23+$0x0], $0xffff;
	v17 =	vand.u32 $0x7F, v17;
	v18 =	vand.u32 $0xFFFFFC00, v18  }
0xf8: {  	v20 =	vld.idx.msk [tilespmem:v14+s22+$0x0], $0xffff;
	v17 =	vor.u32 v17, v18  }
0xf9: {  	v16 =	vld.idx.msk [tilespmem:v16+s22+$0x0], $0xffff;
	v18 =	vadd.s32 v2, v17  }
0xfa: {  	v14 =	vld.idx.msk [tilespmem:v14+s23+$0x0], $0xffff;
	v17 =	vadd.s32 v3, v17  }
0xfb: {  	v8 =	vld.idx.msk [tilespmem:v8+s2+$0x0], $0xffff  }
0xfc: {  	v9 =	vld.idx.msk [tilespmem:v9+s2+$0x0], $0xffff  }
0xfd: {  	v15 =	vld.idx.msk [tilespmem:v15+s2+$0x0], $0xffff  }
0xfe: {  	v21 =	vld.idx.msk [tilespmem:v18+s22+$0x0], $0xffff  }
0xff: {  	v22 =	vld.idx.msk [tilespmem:v17+s22+$0x0], $0xffff  }
0x100: {  	v18 =	vld.idx.msk [tilespmem:v18+s23+$0x0], $0xffff  }
0x101: {  	v17 =	vld.idx.msk [tilespmem:v17+s23+$0x0], $0xffff  }
0x102: {  	v19 =	vld.idx.msk [tilespmem:v19+s2+$0x0], $0xffff  }
0x103: {  	v20 =	vld.idx.msk [tilespmem:v20+s2+$0x0], $0xffff  }
0x104: {  	v16 =	vld.idx.msk [tilespmem:v16+s2+$0x0], $0xffff  }
0x105: {  	v5 =	vadd.f32 v12, v5;
	v12 =	vld.idx.msk [tilespmem:v14+s2+$0x0], $0xffff  }
0x106: {  	v7 =	vadd.f32 v11, v7;
	v11 =	vld.idx.msk [tilespmem:v21+s2+$0x0], $0xffff  }
0x107: {  	v6 =	vadd.f32 v10, v6;
	v5 =	vadd.f32 v8, v5;
	v8 =	vld.idx.msk [tilespmem:v22+s2+$0x0], $0xffff  }
0x108: {  	v7 =	vadd.f32 v9, v7;
	v9 =	vld.idx.msk [tilespmem:v18+s2+$0x0], $0xffff  }
0x109: {  	v6 =	vadd.f32 v15, v6;
	v5 =	vadd.f32 v20, v5;
	v10 =	vld.idx.msk [tilespmem:v17+s2+$0x0], $0xffff  }
0x10a: {  	v4 =	vadd.f32 v13, v4;
	v7 =	vadd.f32 v16, v7  }
0x10b: {  	v6 =	vadd.f32 v12, v6;
	v5 =	vadd.f32 v11, v5  }
0x10c: {  	v4 =	vadd.f32 v19, v4;
	v7 =	vadd.f32 v8, v7  }
0x10d: {  	v6 =	vadd.f32 v9, v6;
	[tilespmem:$0x1E7C0] =	vst v5  }
0x10e: {  	s1 =	simm.s32 $0x0;
	v4 =	vadd.f32 v10, v4;
	[tilespmem:$0x1E7D0] =	vst v7  }
0x10f: {  	[tilespmem:$0x1E7E0] =	vst v6;
	v5 =	vadd.s32 s1, v0  }
0x110: {  	[tilespmem:$0x1E7F0] =	vst v4;
	v4 =	vadd.s32 s1, v1;
	vm13 =	vgt.u32 v5, $0xC7  }
0x111: {  	[tilespmem:s22], [sflag:$0x2] =	stream.linear.gather [hbm4b:s13+s1], $0x2000, $0x38;
	v4 =	vsel vm13, v4, v5;
	[tilespmem:$0x1E900] =	vst v63  }
0x112: {  	v5 =	vshll.u32 v4, $0x3  }
0x113: {  	[tilespmem:s23], [sflag:$0x3] =	stream.linear.gather [hbm4b:s14+s1], $0x2000, $0x38;
	v4 =	vand.u32 $0x7F, v4;
	v5 =	vand.u32 $0xFFFFFC00, v5;
	[tilespmem:$0x1E900] =	vst v63  }
0x114: {  	s1 =	simm.s32 $0x1;
	_ =	swait.ge [sflag:s29], $0x2000;
	v4 =	vor.u32 v4, v5  }
0x115: {  	v6 =	vadd.s32 s1, v0;
	[sflag:s29] =	ssyncset.done $0x0;
	v5 =	vadd.s32 v3, v4  }
0x116: {  	v7 =	vadd.s32 s1, v1;
	vm14 =	vgt.u32 v6, $0xC7;
	[sflag:s29] =	ssyncadd.s32 $0xFFFFE000  }
0x117: {  	v4 =	vadd.s32 v2, v4;
	v6 =	vsel vm14, v7, v6;
	_ =	swait.ge [sflag:s25], $0x2000  }
0x118: {  	v8 =	vshll.u32 v6, $0x3;
	[sflag:s25] =	ssyncset.done $0x0  }
0x119: {  	v6 =	vand.u32 $0x7F, v6;
	v8 =	vand.u32 $0xFFFFFC00, v8;
	[sflag:s25] =	ssyncadd.s32 $0xFFFFE000  }
0x11a: {  	v6 =	vor.u32 v6, v8;
	v7 =	vld.idx.msk [tilespmem:v5+s22+$0x0], $0xffff  }
0x11b: {  	v9 =	vadd.s32 v3, v6  }
0x11c: {  	v6 =	vadd.s32 v2, v6;
	v10 =	vld.idx.msk [tilespmem:v4+s24+$0x0], $0xffff  }
0x11d: {  	s1 =	simm.s32 $0x2;
	v11 =	vld.idx.msk [tilespmem:v5+s24+$0x0], $0xffff  }
0x11e: {  	v17 =	vld.idx.msk [tilespmem:v4+s22+$0x0], $0xffff;
	v4 =	vadd.s32 s1, v0  }
0x11f: {  	v5 =	vadd.s32 s1, v1;
	vm15 =	vgt.u32 v4, $0xC7  }
0x120: {  	v4 =	vsel vm15, v5, v4;
	v13 =	vld.idx.msk [tilespmem:v9+s22+$0x0], $0xffff  }
0x121: {  	v5 =	vshll.u32 v4, $0x3;
	v8 =	vld.idx.msk [tilespmem:v6+s24+$0x0], $0xffff  }
0x122: {  	v4 =	vand.u32 $0x7F, v4;
	v12 =	vand.u32 $0xFFFFFC00, v5;
	v7 =	vld.idx.msk [tilespmem:v7+s2+$0x0], $0xffff  }
0x123: {  	v15 =	vld.idx.msk [tilespmem:v6+s22+$0x0], $0xffff;
	v4 =	vor.u32 v4, v12  }
0x124: {  	v9 =	vld.idx.msk [tilespmem:v9+s24+$0x0], $0xffff;
	v16 =	vadd.s32 v3, v4  }
0x125: {  	v14 =	vadd.s32 v2, v4;
	v12 =	vld.idx.msk [tilespmem:v10+s2+$0x0], $0xffff  }
0x126: {  	s1 =	simm.s32 $0x3;
	v5 =	vimm.f32 $0.0e+00;
	v6 =	vimm.f32 $0.0e+00;
	v11 =	vld.idx.msk [tilespmem:v11+s2+$0x0], $0xffff  }
0x127: {  	s30 =	simm.s32 $0x4;
	v10 =	vld.idx.msk [tilespmem:v17+s2+$0x0], $0xffff;
	v17 =	vadd.s32 s1, v0;
	v4 =	vadd.f32 v7, v5;
	v7 =	vimm.f32 $0.0e+00  }
.LBB2_10:
0x128: {  	p0 =	sne.s32 s30, $0xC7;
	vm0 =	vgt.u32 v17, $0xC7;
	v18 =	vadd.s32 s1, v1;
	v19 =	vld.idx.msk [tilespmem:v13+s2+$0x0], $0xffff;
	v20 =	vmov v15;
	s1 =	smov.u32 s30  }
0x129: {  	v15 =	vsel vm0, v18, v17;
	v13 =	vld.idx.msk [tilespmem:v16+s22+$0x0], $0xffff  }
0x12a: {  	v5 =	vadd.f32 v12, v5;
	v17 =	vshll.u32 v15, $0x3;
	v18 =	vld.idx.msk [tilespmem:v14+s24+$0x0], $0xffff  }
0x12b: {  	v12 =	vand.u32 $0x7F, v15;
	v7 =	vadd.f32 v11, v7;
	v15 =	vand.u32 $0xFFFFFC00, v17;
	v21 =	vld.idx.msk [tilespmem:v16+s24+$0x0], $0xffff  }
.Ltmp4:
0x12c: {  	v6 =	vadd.f32 v10, v6;
	v11 =	vor.u32 v12, v15;
	v15 =	vld.idx.msk [tilespmem:v14+s22+$0x0], $0xffff;
	(pc) =	sbr.rel @p0 .LBB2_10-.Ltmp4, $4  }
0x12d: {  	v14 =	vadd.s32 v2, v11;
	v16 =	vadd.s32 v3, v11;
	v12 =	vld.idx.msk [tilespmem:v8+s2+$0x0], $0xffff  }
0x12e: {  	v4 =	vadd.f32 v19, v4;
	v11 =	vld.idx.msk [tilespmem:v9+s2+$0x0], $0xffff  }
0x12f: {  	v10 =	vld.idx.msk [tilespmem:v20+s2+$0x0], $0xffff;
	v8 =	vmov v18  }
0x130: {  	s30 =	sadd.s32 $0x1, s30;
	v17 =	vadd.s32 s1, v0;
	v9 =	vmov v21  }
0x131: {  	_ =	sdelay $0x1  }
0x132: {  	vm0 =	vgt.u32 v17, $0xC7;
	v18 =	vadd.s32 s1, v1  }
0x133: {  	v17 =	vsel vm0, v18, v17  }
0x134: {  	v13 =	vld.idx.msk [tilespmem:v13+s2+$0x0], $0xffff;
	v18 =	vshll.u32 v17, $0x3  }
0x135: {  	v19 =	vld.idx.msk [tilespmem:v16+s22+$0x0], $0xffff;
	v17 =	vand.u32 $0x7F, v17;
	v18 =	vand.u32 $0xFFFFFC00, v18  }
0x136: {  	v20 =	vld.idx.msk [tilespmem:v14+s24+$0x0], $0xffff;
	v17 =	vor.u32 v17, v18  }
0x137: {  	v16 =	vld.idx.msk [tilespmem:v16+s24+$0x0], $0xffff;
	v18 =	vadd.s32 v2, v17  }
0x138: {  	v14 =	vld.idx.msk [tilespmem:v14+s22+$0x0], $0xffff;
	v17 =	vadd.s32 v3, v17  }
0x139: {  	v8 =	vld.idx.msk [tilespmem:v8+s2+$0x0], $0xffff  }
0x13a: {  	v9 =	vld.idx.msk [tilespmem:v9+s2+$0x0], $0xffff  }
0x13b: {  	v15 =	vld.idx.msk [tilespmem:v15+s2+$0x0], $0xffff  }
0x13c: {  	v21 =	vld.idx.msk [tilespmem:v18+s24+$0x0], $0xffff  }
0x13d: {  	v22 =	vld.idx.msk [tilespmem:v17+s24+$0x0], $0xffff  }
0x13e: {  	v18 =	vld.idx.msk [tilespmem:v18+s22+$0x0], $0xffff  }
0x13f: {  	v17 =	vld.idx.msk [tilespmem:v17+s22+$0x0], $0xffff  }
0x140: {  	v19 =	vld.idx.msk [tilespmem:v19+s2+$0x0], $0xffff  }
0x141: {  	v20 =	vld.idx.msk [tilespmem:v20+s2+$0x0], $0xffff  }
0x142: {  	v16 =	vld.idx.msk [tilespmem:v16+s2+$0x0], $0xffff  }
0x143: {  	v5 =	vadd.f32 v12, v5;
	v12 =	vld.idx.msk [tilespmem:v14+s2+$0x0], $0xffff  }
0x144: {  	v7 =	vadd.f32 v11, v7;
	v11 =	vld.idx.msk [tilespmem:v21+s2+$0x0], $0xffff  }
0x145: {  	v6 =	vadd.f32 v10, v6;
	v5 =	vadd.f32 v8, v5;
	v8 =	vld.idx.msk [tilespmem:v22+s2+$0x0], $0xffff  }
0x146: {  	v7 =	vadd.f32 v9, v7;
	v9 =	vld.idx.msk [tilespmem:v18+s2+$0x0], $0xffff  }
0x147: {  	v6 =	vadd.f32 v15, v6;
	v5 =	vadd.f32 v20, v5;
	v10 =	vld.idx.msk [tilespmem:v17+s2+$0x0], $0xffff  }
0x148: {  	v4 =	vadd.f32 v13, v4;
	v7 =	vadd.f32 v16, v7  }
0x149: {  	v6 =	vadd.f32 v12, v6;
	v5 =	vadd.f32 v11, v5  }
0x14a: {  	v4 =	vadd.f32 v19, v4;
	v7 =	vadd.f32 v8, v7  }
0x14b: {  	v6 =	vadd.f32 v9, v6;
	[tilespmem:$0x1E800] =	vst v5  }
0x14c: {  	s1 =	simm.s32 $0x0;
	v4 =	vadd.f32 v10, v4;
	[tilespmem:$0x1E810] =	vst v7  }
0x14d: {  	[tilespmem:$0x1E820] =	vst v6;
	v5 =	vadd.s32 s1, v0  }
0x14e: {  	[tilespmem:$0x1E830] =	vst v4;
	v4 =	vadd.s32 s1, v1;
	vm13 =	vgt.u32 v5, $0xC7  }
0x14f: {  	[tilespmem:s24], [sflag:$0x4] =	stream.linear.gather [hbm4b:s15+s1], $0x2000, $0x38;
	v4 =	vsel vm13, v4, v5;
	[tilespmem:$0x1E900] =	vst v63  }
0x150: {  	v5 =	vshll.u32 v4, $0x3  }
0x151: {  	[tilespmem:s22], [sflag:$0x2] =	stream.linear.gather [hbm4b:s16+s1], $0x2000, $0x38;
	v4 =	vand.u32 $0x7F, v4;
	v5 =	vand.u32 $0xFFFFFC00, v5;
	[tilespmem:$0x1E900] =	vst v63  }
0x152: {  	s1 =	simm.s32 $0x1;
	_ =	swait.ge [sflag:s26], $0x2000;
	v4 =	vor.u32 v4, v5  }
0x153: {  	v6 =	vadd.s32 s1, v0;
	[sflag:s26] =	ssyncset.done $0x0;
	v5 =	vadd.s32 v3, v4  }
0x154: {  	v7 =	vadd.s32 s1, v1;
	vm14 =	vgt.u32 v6, $0xC7;
	[sflag:s26] =	ssyncadd.s32 $0xFFFFE000  }
0x155: {  	v4 =	vadd.s32 v2, v4;
	v6 =	vsel vm14, v7, v6;
	_ =	swait.ge [sflag:s29], $0x2000  }
0x156: {  	v8 =	vshll.u32 v6, $0x3;
	[sflag:s29] =	ssyncset.done $0x0  }
0x157: {  	v6 =	vand.u32 $0x7F, v6;
	v8 =	vand.u32 $0xFFFFFC00, v8;
	[sflag:s29] =	ssyncadd.s32 $0xFFFFE000  }
0x158: {  	v6 =	vor.u32 v6, v8;
	v7 =	vld.idx.msk [tilespmem:v5+s24+$0x0], $0xffff  }
0x159: {  	v9 =	vadd.s32 v3, v6  }
0x15a: {  	v6 =	vadd.s32 v2, v6;
	v10 =	vld.idx.msk [tilespmem:v4+s23+$0x0], $0xffff  }
0x15b: {  	s1 =	simm.s32 $0x2;
	v11 =	vld.idx.msk [tilespmem:v5+s23+$0x0], $0xffff  }
0x15c: {  	v17 =	vld.idx.msk [tilespmem:v4+s24+$0x0], $0xffff;
	v4 =	vadd.s32 s1, v0  }
0x15d: {  	v5 =	vadd.s32 s1, v1;
	vm15 =	vgt.u32 v4, $0xC7  }
0x15e: {  	v4 =	vsel vm15, v5, v4;
	v13 =	vld.idx.msk [tilespmem:v9+s24+$0x0], $0xffff  }
0x15f: {  	v5 =	vshll.u32 v4, $0x3;
	v8 =	vld.idx.msk [tilespmem:v6+s23+$0x0], $0xffff  }
0x160: {  	v4 =	vand.u32 $0x7F, v4;
	v12 =	vand.u32 $0xFFFFFC00, v5;
	v7 =	vld.idx.msk [tilespmem:v7+s2+$0x0], $0xffff  }
0x161: {  	v15 =	vld.idx.msk [tilespmem:v6+s24+$0x0], $0xffff;
	v4 =	vor.u32 v4, v12  }
0x162: {  	v9 =	vld.idx.msk [tilespmem:v9+s23+$0x0], $0xffff;
	v16 =	vadd.s32 v3, v4  }
0x163: {  	v14 =	vadd.s32 v2, v4;
	v12 =	vld.idx.msk [tilespmem:v10+s2+$0x0], $0xffff  }
0x164: {  	s1 =	simm.s32 $0x3;
	v5 =	vimm.f32 $0.0e+00;
	v6 =	vimm.f32 $0.0e+00;
	v11 =	vld.idx.msk [tilespmem:v11+s2+$0x0], $0xffff  }
0x165: {  	s30 =	simm.s32 $0x4;
	v10 =	vld.idx.msk [tilespmem:v17+s2+$0x0], $0xffff;
	v17 =	vadd.s32 s1, v0;
	v4 =	vadd.f32 v7, v5;
	v7 =	vimm.f32 $0.0e+00  }
.LBB2_12:
0x166: {  	p0 =	sne.s32 s30, $0xC7;
	vm0 =	vgt.u32 v17, $0xC7;
	v18 =	vadd.s32 s1, v1;
	v19 =	vld.idx.msk [tilespmem:v13+s2+$0x0], $0xffff;
	v20 =	vmov v15;
	s1 =	smov.u32 s30  }
0x167: {  	v15 =	vsel vm0, v18, v17;
	v13 =	vld.idx.msk [tilespmem:v16+s24+$0x0], $0xffff  }
0x168: {  	v5 =	vadd.f32 v12, v5;
	v17 =	vshll.u32 v15, $0x3;
	v18 =	vld.idx.msk [tilespmem:v14+s23+$0x0], $0xffff  }
0x169: {  	v12 =	vand.u32 $0x7F, v15;
	v7 =	vadd.f32 v11, v7;
	v15 =	vand.u32 $0xFFFFFC00, v17;
	v21 =	vld.idx.msk [tilespmem:v16+s23+$0x0], $0xffff  }
.Ltmp5:
0x16a: {  	v6 =	vadd.f32 v10, v6;
	v11 =	vor.u32 v12, v15;
	v15 =	vld.idx.msk [tilespmem:v14+s24+$0x0], $0xffff;
	(pc) =	sbr.rel @p0 .LBB2_12-.Ltmp5, $4  }
0x16b: {  	v14 =	vadd.s32 v2, v11;
	v16 =	vadd.s32 v3, v11;
	v12 =	vld.idx.msk [tilespmem:v8+s2+$0x0], $0xffff  }
0x16c: {  	v4 =	vadd.f32 v19, v4;
	v11 =	vld.idx.msk [tilespmem:v9+s2+$0x0], $0xffff  }
0x16d: {  	v10 =	vld.idx.msk [tilespmem:v20+s2+$0x0], $0xffff;
	v8 =	vmov v18  }
0x16e: {  	s30 =	sadd.s32 $0x1, s30;
	v17 =	vadd.s32 s1, v0;
	v9 =	vmov v21  }
0x16f: {  	_ =	sdelay $0x1  }
0x170: {  	vm0 =	vgt.u32 v17, $0xC7;
	v18 =	vadd.s32 s1, v1  }
0x171: {  	v17 =	vsel vm0, v18, v17  }
0x172: {  	v13 =	vld.idx.msk [tilespmem:v13+s2+$0x0], $0xffff;
	v18 =	vshll.u32 v17, $0x3  }
0x173: {  	v19 =	vld.idx.msk [tilespmem:v16+s24+$0x0], $0xffff;
	v17 =	vand.u32 $0x7F, v17;
	v18 =	vand.u32 $0xFFFFFC00, v18  }
0x174: {  	v20 =	vld.idx.msk [tilespmem:v14+s23+$0x0], $0xffff;
	v17 =	vor.u32 v17, v18  }
0x175: {  	v16 =	vld.idx.msk [tilespmem:v16+s23+$0x0], $0xffff;
	v18 =	vadd.s32 v2, v17  }
0x176: {  	v14 =	vld.idx.msk [tilespmem:v14+s24+$0x0], $0xffff;
	v17 =	vadd.s32 v3, v17  }
0x177: {  	v8 =	vld.idx.msk [tilespmem:v8+s2+$0x0], $0xffff  }
0x178: {  	v9 =	vld.idx.msk [tilespmem:v9+s2+$0x0], $0xffff  }
0x179: {  	v15 =	vld.idx.msk [tilespmem:v15+s2+$0x0], $0xffff  }
0x17a: {  	v21 =	vld.idx.msk [tilespmem:v18+s23+$0x0], $0xffff  }
0x17b: {  	v22 =	vld.idx.msk [tilespmem:v17+s23+$0x0], $0xffff  }
0x17c: {  	v18 =	vld.idx.msk [tilespmem:v18+s24+$0x0], $0xffff  }
0x17d: {  	v17 =	vld.idx.msk [tilespmem:v17+s24+$0x0], $0xffff  }
0x17e: {  	v19 =	vld.idx.msk [tilespmem:v19+s2+$0x0], $0xffff  }
0x17f: {  	v20 =	vld.idx.msk [tilespmem:v20+s2+$0x0], $0xffff  }
0x180: {  	v16 =	vld.idx.msk [tilespmem:v16+s2+$0x0], $0xffff  }
0x181: {  	v5 =	vadd.f32 v12, v5;
	v12 =	vld.idx.msk [tilespmem:v14+s2+$0x0], $0xffff  }
0x182: {  	v7 =	vadd.f32 v11, v7;
	v11 =	vld.idx.msk [tilespmem:v21+s2+$0x0], $0xffff  }
0x183: {  	v6 =	vadd.f32 v10, v6;
	v5 =	vadd.f32 v8, v5;
	v8 =	vld.idx.msk [tilespmem:v22+s2+$0x0], $0xffff  }
0x184: {  	v7 =	vadd.f32 v9, v7;
	v9 =	vld.idx.msk [tilespmem:v18+s2+$0x0], $0xffff  }
0x185: {  	v6 =	vadd.f32 v15, v6;
	v5 =	vadd.f32 v20, v5;
	v10 =	vld.idx.msk [tilespmem:v17+s2+$0x0], $0xffff  }
0x186: {  	v4 =	vadd.f32 v13, v4;
	v7 =	vadd.f32 v16, v7  }
0x187: {  	v6 =	vadd.f32 v12, v6;
	v5 =	vadd.f32 v11, v5  }
0x188: {  	v4 =	vadd.f32 v19, v4;
	v7 =	vadd.f32 v8, v7  }
0x189: {  	v6 =	vadd.f32 v9, v6;
	[tilespmem:$0x1E840] =	vst v5  }
0x18a: {  	s1 =	simm.s32 $0x0;
	v4 =	vadd.f32 v10, v4;
	[tilespmem:$0x1E850] =	vst v7  }
0x18b: {  	[tilespmem:$0x1E860] =	vst v6;
	v5 =	vadd.s32 s1, v0  }
0x18c: {  	[tilespmem:$0x1E870] =	vst v4;
	v4 =	vadd.s32 s1, v1;
	vm13 =	vgt.u32 v5, $0xC7  }
0x18d: {  	[tilespmem:s23], [sflag:$0x3] =	stream.linear.gather [hbm4b:s17+s1], $0x2000, $0x38;
	v4 =	vsel vm13, v4, v5;
	[tilespmem:$0x1E900] =	vst v63  }
0x18e: {  	v5 =	vshll.u32 v4, $0x3  }
0x18f: {  	[tilespmem:s24], [sflag:$0x4] =	stream.linear.gather [hbm4b:s18+s1], $0x2000, $0x38;
	v4 =	vand.u32 $0x7F, v4;
	v5 =	vand.u32 $0xFFFFFC00, v5;
	[tilespmem:$0x1E900] =	vst v63  }
0x190: {  	s1 =	simm.s32 $0x1;
	_ =	swait.ge [sflag:s25], $0x2000;
	v4 =	vor.u32 v4, v5  }
0x191: {  	v6 =	vadd.s32 s1, v0;
	[sflag:s25] =	ssyncset.done $0x0;
	v5 =	vadd.s32 v3, v4  }
0x192: {  	v7 =	vadd.s32 s1, v1;
	vm14 =	vgt.u32 v6, $0xC7;
	[sflag:s25] =	ssyncadd.s32 $0xFFFFE000  }
0x193: {  	v4 =	vadd.s32 v2, v4;
	v6 =	vsel vm14, v7, v6;
	_ =	swait.ge [sflag:s26], $0x2000  }
0x194: {  	v8 =	vshll.u32 v6, $0x3;
	[sflag:s26] =	ssyncset.done $0x0  }
0x195: {  	v6 =	vand.u32 $0x7F, v6;
	v8 =	vand.u32 $0xFFFFFC00, v8;
	[sflag:s26] =	ssyncadd.s32 $0xFFFFE000  }
0x196: {  	v6 =	vor.u32 v6, v8;
	v7 =	vld.idx.msk [tilespmem:v5+s23+$0x0], $0xffff  }
0x197: {  	v9 =	vadd.s32 v3, v6  }
0x198: {  	v6 =	vadd.s32 v2, v6;
	v10 =	vld.idx.msk [tilespmem:v4+s22+$0x0], $0xffff  }
0x199: {  	s1 =	simm.s32 $0x2;
	v11 =	vld.idx.msk [tilespmem:v5+s22+$0x0], $0xffff  }
0x19a: {  	v17 =	vld.idx.msk [tilespmem:v4+s23+$0x0], $0xffff;
	v4 =	vadd.s32 s1, v0  }
0x19b: {  	v5 =	vadd.s32 s1, v1;
	vm15 =	vgt.u32 v4, $0xC7  }
0x19c: {  	v4 =	vsel vm15, v5, v4;
	v13 =	vld.idx.msk [tilespmem:v9+s23+$0x0], $0xffff  }
0x19d: {  	v5 =	vshll.u32 v4, $0x3;
	v8 =	vld.idx.msk [tilespmem:v6+s22+$0x0], $0xffff  }
0x19e: {  	v4 =	vand.u32 $0x7F, v4;
	v12 =	vand.u32 $0xFFFFFC00, v5;
	v7 =	vld.idx.msk [tilespmem:v7+s2+$0x0], $0xffff  }
0x19f: {  	v15 =	vld.idx.msk [tilespmem:v6+s23+$0x0], $0xffff;
	v4 =	vor.u32 v4, v12  }
0x1a0: {  	v9 =	vld.idx.msk [tilespmem:v9+s22+$0x0], $0xffff;
	v16 =	vadd.s32 v3, v4  }
0x1a1: {  	v14 =	vadd.s32 v2, v4;
	v12 =	vld.idx.msk [tilespmem:v10+s2+$0x0], $0xffff  }
0x1a2: {  	s1 =	simm.s32 $0x3;
	v5 =	vimm.f32 $0.0e+00;
	v6 =	vimm.f32 $0.0e+00;
	v11 =	vld.idx.msk [tilespmem:v11+s2+$0x0], $0xffff  }
0x1a3: {  	s30 =	simm.s32 $0x4;
	v10 =	vld.idx.msk [tilespmem:v17+s2+$0x0], $0xffff;
	v17 =	vadd.s32 s1, v0;
	v4 =	vadd.f32 v7, v5;
	v7 =	vimm.f32 $0.0e+00  }
.LBB2_14:
0x1a4: {  	p0 =	sne.s32 s30, $0xC7;
	vm0 =	vgt.u32 v17, $0xC7;
	v18 =	vadd.s32 s1, v1;
	v19 =	vld.idx.msk [tilespmem:v13+s2+$0x0], $0xffff;
	v20 =	vmov v15;
	s1 =	smov.u32 s30  }
0x1a5: {  	v15 =	vsel vm0, v18, v17;
	v13 =	vld.idx.msk [tilespmem:v16+s23+$0x0], $0xffff  }
0x1a6: {  	v5 =	vadd.f32 v12, v5;
	v17 =	vshll.u32 v15, $0x3;
	v18 =	vld.idx.msk [tilespmem:v14+s22+$0x0], $0xffff  }
0x1a7: {  	v12 =	vand.u32 $0x7F, v15;
	v7 =	vadd.f32 v11, v7;
	v15 =	vand.u32 $0xFFFFFC00, v17;
	v21 =	vld.idx.msk [tilespmem:v16+s22+$0x0], $0xffff  }
.Ltmp6:
0x1a8: {  	v6 =	vadd.f32 v10, v6;
	v11 =	vor.u32 v12, v15;
	v15 =	vld.idx.msk [tilespmem:v14+s23+$0x0], $0xffff;
	(pc) =	sbr.rel @p0 .LBB2_14-.Ltmp6, $4  }
0x1a9: {  	v14 =	vadd.s32 v2, v11;
	v16 =	vadd.s32 v3, v11;
	v12 =	vld.idx.msk [tilespmem:v8+s2+$0x0], $0xffff  }
0x1aa: {  	v4 =	vadd.f32 v19, v4;
	v11 =	vld.idx.msk [tilespmem:v9+s2+$0x0], $0xffff  }
0x1ab: {  	v10 =	vld.idx.msk [tilespmem:v20+s2+$0x0], $0xffff;
	v8 =	vmov v18  }
0x1ac: {  	s30 =	sadd.s32 $0x1, s30;
	v17 =	vadd.s32 s1, v0;
	v9 =	vmov v21  }
0x1ad: {  	_ =	sdelay $0x1  }
0x1ae: {  	vm0 =	vgt.u32 v17, $0xC7;
	v18 =	vadd.s32 s1, v1  }
0x1af: {  	v17 =	vsel vm0, v18, v17  }
0x1b0: {  	v13 =	vld.idx.msk [tilespmem:v13+s2+$0x0], $0xffff;
	v18 =	vshll.u32 v17, $0x3  }
0x1b1: {  	v19 =	vld.idx.msk [tilespmem:v16+s23+$0x0], $0xffff;
	v17 =	vand.u32 $0x7F, v17;
	v18 =	vand.u32 $0xFFFFFC00, v18  }
0x1b2: {  	v20 =	vld.idx.msk [tilespmem:v14+s22+$0x0], $0xffff;
	v17 =	vor.u32 v17, v18  }
0x1b3: {  	v16 =	vld.idx.msk [tilespmem:v16+s22+$0x0], $0xffff;
	v18 =	vadd.s32 v2, v17  }
0x1b4: {  	v14 =	vld.idx.msk [tilespmem:v14+s23+$0x0], $0xffff;
	v17 =	vadd.s32 v3, v17  }
0x1b5: {  	v8 =	vld.idx.msk [tilespmem:v8+s2+$0x0], $0xffff  }
0x1b6: {  	v9 =	vld.idx.msk [tilespmem:v9+s2+$0x0], $0xffff  }
0x1b7: {  	v15 =	vld.idx.msk [tilespmem:v15+s2+$0x0], $0xffff  }
0x1b8: {  	v21 =	vld.idx.msk [tilespmem:v18+s22+$0x0], $0xffff  }
0x1b9: {  	v22 =	vld.idx.msk [tilespmem:v17+s22+$0x0], $0xffff  }
0x1ba: {  	v18 =	vld.idx.msk [tilespmem:v18+s23+$0x0], $0xffff  }
0x1bb: {  	v17 =	vld.idx.msk [tilespmem:v17+s23+$0x0], $0xffff  }
0x1bc: {  	v19 =	vld.idx.msk [tilespmem:v19+s2+$0x0], $0xffff  }
0x1bd: {  	v20 =	vld.idx.msk [tilespmem:v20+s2+$0x0], $0xffff  }
0x1be: {  	v16 =	vld.idx.msk [tilespmem:v16+s2+$0x0], $0xffff  }
0x1bf: {  	v5 =	vadd.f32 v12, v5;
	v12 =	vld.idx.msk [tilespmem:v14+s2+$0x0], $0xffff  }
0x1c0: {  	v7 =	vadd.f32 v11, v7;
	v11 =	vld.idx.msk [tilespmem:v21+s2+$0x0], $0xffff  }
0x1c1: {  	v6 =	vadd.f32 v10, v6;
	v5 =	vadd.f32 v8, v5;
	v8 =	vld.idx.msk [tilespmem:v22+s2+$0x0], $0xffff  }
0x1c2: {  	v7 =	vadd.f32 v9, v7;
	v9 =	vld.idx.msk [tilespmem:v18+s2+$0x0], $0xffff  }
0x1c3: {  	v6 =	vadd.f32 v15, v6;
	v5 =	vadd.f32 v20, v5;
	v10 =	vld.idx.msk [tilespmem:v17+s2+$0x0], $0xffff  }
0x1c4: {  	v4 =	vadd.f32 v13, v4;
	v7 =	vadd.f32 v16, v7  }
0x1c5: {  	v6 =	vadd.f32 v12, v6;
	v5 =	vadd.f32 v11, v5  }
0x1c6: {  	s1 =	simm.s32 $0x0;
	v4 =	vadd.f32 v19, v4;
	v7 =	vadd.f32 v8, v7  }
0x1c7: {  	v6 =	vadd.f32 v9, v6;
	[tilespmem:$0x1E880] =	vst v5;
	v5 =	vadd.s32 s1, v0  }
0x1c8: {  	v4 =	vadd.f32 v10, v4;
	[tilespmem:$0x1E890] =	vst v7;
	v7 =	vadd.s32 s1, v1;
	vm13 =	vgt.u32 v5, $0xC7  }
0x1c9: {  	[tilespmem:$0x1E8A0] =	vst v6;
	v5 =	vsel vm13, v7, v5  }
0x1ca: {  	[tilespmem:$0x1E8B0] =	vst v4;
	v4 =	vshll.u32 v5, $0x3  }
0x1cb: {  	[tilespmem:s22], [sflag:$0x2] =	stream.linear.gather [hbm4b:s19+s1], $0x2000, $0x38;
	v5 =	vand.u32 $0x7F, v5;
	v4 =	vand.u32 $0xFFFFFC00, v4;
	[tilespmem:$0x1E900] =	vst v63  }
0x1cc: {  	s1 =	simm.s32 $0x1;
	_ =	swait.ge [sflag:s29], $0x2000;
	v4 =	vor.u32 v5, v4  }
0x1cd: {  	v6 =	vadd.s32 s1, v0;
	[sflag:s29] =	ssyncset.done $0x0;
	v5 =	vadd.s32 v3, v4  }
0x1ce: {  	v7 =	vadd.s32 s1, v1;
	vm14 =	vgt.u32 v6, $0xC7;
	[sflag:s29] =	ssyncadd.s32 $0xFFFFE000  }
0x1cf: {  	v6 =	vsel vm14, v7, v6;
	_ =	swait.ge [sflag:s25], $0x2000;
	v4 =	vadd.s32 v2, v4  }
0x1d0: {  	v8 =	vshll.u32 v6, $0x3;
	[sflag:s25] =	ssyncset.done $0x0  }
0x1d1: {  	v6 =	vand.u32 $0x7F, v6;
	v8 =	vand.u32 $0xFFFFFC00, v8;
	[sflag:s25] =	ssyncadd.s32 $0xFFFFE000  }
0x1d2: {  	v6 =	vor.u32 v6, v8;
	v7 =	vld.idx.msk [tilespmem:v5+s22+$0x0], $0xffff  }
0x1d3: {  	v9 =	vadd.s32 v3, v6  }
0x1d4: {  	v6 =	vadd.s32 v2, v6;
	v10 =	vld.idx.msk [tilespmem:v4+s24+$0x0], $0xffff  }
0x1d5: {  	s1 =	simm.s32 $0x2;
	v11 =	vld.idx.msk [tilespmem:v5+s24+$0x0], $0xffff  }
0x1d6: {  	v17 =	vld.idx.msk [tilespmem:v4+s22+$0x0], $0xffff;
	v4 =	vadd.s32 s1, v0  }
0x1d7: {  	v5 =	vadd.s32 s1, v1;
	vm15 =	vgt.u32 v4, $0xC7  }
0x1d8: {  	v13 =	vld.idx.msk [tilespmem:v9+s22+$0x0], $0xffff;
	v4 =	vsel vm15, v5, v4  }
0x1d9: {  	v8 =	vld.idx.msk [tilespmem:v6+s24+$0x0], $0xffff;
	v5 =	vshll.u32 v4, $0x3  }
0x1da: {  	v4 =	vand.u32 $0x7F, v4;
	v12 =	vand.u32 $0xFFFFFC00, v5;
	v7 =	vld.idx.msk [tilespmem:v7+s2+$0x0], $0xffff  }
0x1db: {  	v15 =	vld.idx.msk [tilespmem:v6+s22+$0x0], $0xffff;
	v4 =	vor.u32 v4, v12  }
0x1dc: {  	v9 =	vld.idx.msk [tilespmem:v9+s24+$0x0], $0xffff;
	v16 =	vadd.s32 v3, v4  }
0x1dd: {  	v14 =	vadd.s32 v2, v4;
	v12 =	vld.idx.msk [tilespmem:v10+s2+$0x0], $0xffff  }
0x1de: {  	s1 =	simm.s32 $0x3;
	v6 =	vimm.f32 $0.0e+00;
	v5 =	vimm.f32 $0.0e+00;
	v11 =	vld.idx.msk [tilespmem:v11+s2+$0x0], $0xffff  }
0x1df: {  	s30 =	simm.s32 $0x4;
	v10 =	vld.idx.msk [tilespmem:v17+s2+$0x0], $0xffff;
	v17 =	vadd.s32 s1, v0;
	v4 =	vadd.f32 v7, v5;
	v7 =	vimm.f32 $0.0e+00  }
.LBB2_16:
0x1e0: {  	p0 =	sne.s32 s30, $0xC7;
	vm0 =	vgt.u32 v17, $0xC7;
	v18 =	vadd.s32 s1, v1;
	v19 =	vld.idx.msk [tilespmem:v13+s2+$0x0], $0xffff;
	v20 =	vmov v15;
	s1 =	smov.u32 s30  }
0x1e1: {  	v15 =	vsel vm0, v18, v17;
	v13 =	vld.idx.msk [tilespmem:v16+s22+$0x0], $0xffff  }
0x1e2: {  	v5 =	vadd.f32 v12, v5;
	v17 =	vshll.u32 v15, $0x3;
	v18 =	vld.idx.msk [tilespmem:v14+s24+$0x0], $0xffff  }
0x1e3: {  	v12 =	vand.u32 $0x7F, v15;
	v7 =	vadd.f32 v11, v7;
	v15 =	vand.u32 $0xFFFFFC00, v17;
	v21 =	vld.idx.msk [tilespmem:v16+s24+$0x0], $0xffff  }
.Ltmp7:
0x1e4: {  	v6 =	vadd.f32 v10, v6;
	v11 =	vor.u32 v12, v15;
	v15 =	vld.idx.msk [tilespmem:v14+s22+$0x0], $0xffff;
	(pc) =	sbr.rel @p0 .LBB2_16-.Ltmp7, $4  }
0x1e5: {  	v14 =	vadd.s32 v2, v11;
	v16 =	vadd.s32 v3, v11;
	v12 =	vld.idx.msk [tilespmem:v8+s2+$0x0], $0xffff  }
0x1e6: {  	v4 =	vadd.f32 v19, v4;
	v11 =	vld.idx.msk [tilespmem:v9+s2+$0x0], $0xffff  }
0x1e7: {  	v10 =	vld.idx.msk [tilespmem:v20+s2+$0x0], $0xffff;
	v8 =	vmov v18  }
0x1e8: {  	s30 =	sadd.s32 $0x1, s30;
	v17 =	vadd.s32 s1, v0;
	v9 =	vmov v21  }
0x1e9: {  	_ =	sdelay $0x1  }
0x1ea: {  	vm0 =	vgt.u32 v17, $0xC7;
	v18 =	vadd.s32 s1, v1  }
0x1eb: {  	v17 =	vsel vm0, v18, v17  }
0x1ec: {  	v13 =	vld.idx.msk [tilespmem:v13+s2+$0x0], $0xffff;
	v18 =	vshll.u32 v17, $0x3  }
0x1ed: {  	v19 =	vld.idx.msk [tilespmem:v16+s22+$0x0], $0xffff;
	v17 =	vand.u32 $0x7F, v17;
	v18 =	vand.u32 $0xFFFFFC00, v18  }
0x1ee: {  	v20 =	vld.idx.msk [tilespmem:v14+s24+$0x0], $0xffff;
	v17 =	vor.u32 v17, v18  }
0x1ef: {  	v57 =	vld.idx.msk [tilespmem:v16+s24+$0x0], $0xffff;
	v18 =	vadd.s32 v2, v17  }
0x1f0: {  	v58 =	vld.idx.msk [tilespmem:v14+s22+$0x0], $0xffff;
	v17 =	vadd.s32 v3, v17  }
0x1f1: {  	v8 =	vld.idx.msk [tilespmem:v8+s2+$0x0], $0xffff  }
0x1f2: {  	v9 =	vld.idx.msk [tilespmem:v9+s2+$0x0], $0xffff  }
0x1f3: {  	v15 =	vld.idx.msk [tilespmem:v15+s2+$0x0], $0xffff  }
0x1f4: {  	v21 =	vld.idx.msk [tilespmem:v18+s24+$0x0], $0xffff  }
0x1f5: {  	v22 =	vld.idx.msk [tilespmem:v17+s24+$0x0], $0xffff  }
0x1f6: {  	v18 =	vld.idx.msk [tilespmem:v18+s22+$0x0], $0xffff  }
0x1f7: {  	v17 =	vld.idx.msk [tilespmem:v17+s22+$0x0], $0xffff  }
0x1f8: {  	v19 =	vld.idx.msk [tilespmem:v19+s2+$0x0], $0xffff  }
0x1f9: {  	v20 =	vld.idx.msk [tilespmem:v20+s2+$0x0], $0xffff  }
0x1fa: {  	v16 =	vld.idx.msk [tilespmem:v57+s2+$0x0], $0xffff  }
0x1fb: {  	v5 =	vadd.f32 v12, v5;
	v59 =	vld.idx.msk [tilespmem:v58+s2+$0x0], $0xffff  }
0x1fc: {  	v7 =	vadd.f32 v11, v7;
	v60 =	vld.idx.msk [tilespmem:v21+s2+$0x0], $0xffff  }
0x1fd: {  	v6 =	vadd.f32 v10, v6;
	v5 =	vadd.f32 v8, v5;
	v61 =	vld.idx.msk [tilespmem:v22+s2+$0x0], $0xffff  }
0x1fe: {  	v7 =	vadd.f32 v9, v7;
	v62 =	vld.idx.msk [tilespmem:v18+s2+$0x0], $0xffff  }
0x1ff: {  	v6 =	vadd.f32 v15, v6;
	v5 =	vadd.f32 v20, v5;
	v63 =	vld.idx.msk [tilespmem:v17+s2+$0x0], $0xffff  }
0x200: {  	v4 =	vadd.f32 v13, v4;
	v7 =	vadd.f32 v16, v7  }
0x201: {  	v6 =	vadd.f32 v59, v6;
	v5 =	vadd.f32 v60, v5  }
0x202: {  	v4 =	vadd.f32 v19, v4;
	v7 =	vadd.f32 v61, v7  }
0x203: {  	v6 =	vadd.f32 v62, v6;
	[tilespmem:$0x1E8C0] =	vst v5  }
0x204: {  	s0 =	sadd.s32 $0x1, s0;
	v4 =	vadd.f32 v63, v4;
	[tilespmem:$0x1E8D0] =	vst v7  }
0x205: {  	p0 =	sne.s32 s0, s21;
	[tilespmem:$0x1E8E0] =	vst v6  }
.Ltmp8:
0x206: {  	s30 =	simm.s32 $0x1E700;
	[tilespmem:$0x1E8F0] =	vst v4;
	(pc) =	sbr.rel @p0 .LBB2_1-.Ltmp8, $4  }
0x207: {  	[hbm4b:s20+s2] =	stream.linear.scatter [tilespmem:s30], [sflag:$0x5], $0x200, $0x38;
	[tilespmem:$0x1E900] =	vst v63  }
0x208: {  	_ =	swait.ge [sflag:s31], $0x200  }
0x209: {  	[sflag:s31] =	ssyncset.done $0x0  }
0x20a: {  	[sflag:s31] =	ssyncadd.s32 $0xFFFFFE00  }
0x20b: {  	_ =	sfence.sel $0x180000  }
0x20c: {  	[bflag:$0x0] =	sbarrier.arrive $0xFFFF  }
0x20d: {  	_ =	strace $0x90000047  }
0x20e: {  	s0 =	stileid.u32;
	[bflag:$0x2] =	sbarrier.arrive $0xFFFF  }
0x20f: {  	p0 =	sne.s32 s0, $0x0;
	s0 =	rddreg [dreg:$0x2]  }
0x210: {  	s0 =	sadd.s32 @!p0 $0x100000, s0  }
0x211: {  	[sflag:s0] =	ssyncadd.tile.s32 @!p0 $0x1;
	_ =	shalt  }
.Lfunc_end2:
_tile_overlayer_lowered:
.L_overlay_start_2:
0x212: {  	(tag) =	ssettag $0x2  }
0x213: {  	s0 =	rddreg [dreg:$0x0];
	s2 =	stileid.u32  }
0x214: {  	s1 =	rddreg [dreg:$0x1];
	p0 =	sne.s32 s2, $0x0  }
0x215: {  	s3 =	rddreg [dreg:$0x2];
	[bflag:$0x3] =	sbarrier.arrive $0xFFFF;
	s2 =	simm.s32 @!p0 $0x1C05  }
0x216: {  	[timem:s3], [sflag:s2] =	dma.local @!p0 [hbm:s0], s1  }
0x217: {  	s0 =	simm.s32 @!p0 $0x5  }
0x218: {  	_ =	swait.ge @!p0 [sflag:s0], s1  }
0x219: {  	s1 =	ssub.s32 @!p0 $0x0, s1;
	[sflag:s0] =	ssyncset.done @!p0 $0x0  }
0x21a: {  	[sflag:s0] =	ssyncadd.s32 @!p0 s1  }
0x21b: {  	[bflag:$0x3] =	sbarrier.arrive $0xFFFF  }
0x21c: {  	_ =	shalt  }

</sc_bundles>
